<compile_context>
chip_gen: v7x
topology: tpu7x:2x2x1
jax: 0.10.2.dev20260603
libtpu: 0.0.44.dev20260713+nightly
codegen_flags: <defaults>
</compile_context>

<pallas_src>
import functools

import jax
import jax.numpy as jnp
from jax import lax
from jax.experimental import pallas as pl
from jax.experimental.pallas import tpu as pltpu
from jax.experimental.pallas import tpu_sc as plsc

N_TOK = 16384
HALF = 16
OUT_DIM = 2 * HALF
WORD_VOCAB = 1000000
SUFF_VOCAB = 1000
NUM_CORES = 2
NUM_SUBCORES = 16
NW = NUM_CORES * NUM_SUBCORES
BPW = N_TOK // NW
CHUNK = 128
LANES = 16
NBUF = 16
NGRP = BPW // NBUF

_mesh = plsc.VectorSubcoreMesh(core_axis_name="c", subcore_axis_name="s")


@functools.partial(
    pl.kernel,
    mesh=_mesh,
    out_type=jax.ShapeDtypeStruct((OUT_DIM, N_TOK), jnp.float32),
    compiler_params=pltpu.CompilerParams(needs_layout_passes=False),
    scratch_types=[
        pltpu.VMEM((BPW,), jnp.int32),
        pltpu.VMEM((BPW,), jnp.int32),
        pltpu.VMEM((HALF, SUFF_VOCAB), jnp.float32),
        pltpu.VMEM((NBUF, HALF, CHUNK), jnp.float32),
        pltpu.VMEM((OUT_DIM, BPW), jnp.float32),
        [pltpu.SemaphoreType.DMA] * NBUF,
        pltpu.SemaphoreType.DMA,
    ],
)
def _emb_lookup(word_idx_hbm, suff_idx_hbm, WT_hbm, WST_hbm, out_hbm,
                widx_v, sidx_v, wst_v, blk_v, obuf_v, bsems, ssem):
    wid = lax.axis_index("s") * NUM_CORES + lax.axis_index("c")
    base = wid * BPW

    suff_cp = pltpu.async_copy(WST_hbm, wst_v, ssem)
    pltpu.sync_copy(word_idx_hbm.at[pl.ds(base, BPW)], widx_v)
    pltpu.sync_copy(suff_idx_hbm.at[pl.ds(base, BPW)], sidx_v)

    def fire(w_vec, b):
        col = pl.multiple_of((w_vec[b] >> 7) * CHUNK, CHUNK)
        pltpu.async_copy(WT_hbm.at[:, pl.ds(col, CHUNK)], blk_v.at[b],
                         bsems[b])

    w0 = widx_v[pl.ds(0, LANES)]
    for b in range(NBUF):
        fire(w0, b)

    suff_cp.wait()
    lane = lax.iota(jnp.int32, LANES)

    def outer(q, carry):
        s_vec = sidx_v[pl.ds(q * LANES, LANES)]
        for d in range(HALF):
            sv = plsc.load_gather(wst_v, [jnp.full((LANES,), d, jnp.int32),
                                          s_vec])
            obuf_v[HALF + d, pl.ds(q * LANES, LANES)] = sv

        w_vec = widx_v[pl.ds(q * LANES, LANES)]
        qn = jnp.minimum(q + 1, NGRP - 1)
        w_next = widx_v[pl.ds(qn * LANES, LANES)]
        for b in range(NBUF):
            t = q * NBUF + b
            pltpu.make_async_copy(WT_hbm.at[:, pl.ds(0, CHUNK)], blk_v.at[b],
                                  bsems[b]).wait()
            rem = jnp.broadcast_to(w_vec[b] & (CHUNK - 1), (LANES,))
            wv = plsc.load_gather(blk_v.at[b], [lane, rem])
            plsc.store_scatter(obuf_v,
                               [lane, jnp.full((LANES,), 0, jnp.int32) + t],
                               wv)

            @pl.when(q + 1 < NGRP)
            def _():
                fire(w_next, b)
        return carry

    lax.fori_loop(0, NGRP, outer, 0)

    pltpu.sync_copy(obuf_v, out_hbm.at[:, pl.ds(base, BPW)])


def kernel(word_idx, suff_idx, W_word, W_suff):
    out_fm = _emb_lookup(word_idx.astype(jnp.int32),
                         suff_idx.astype(jnp.int32),
                         W_word.T, W_suff.T)
    return out_fm.T

# --- scband reference (transcript-rebuilt; emitter-appended) ---
"""Pipeline reference for scband-suffix-and-word-embedding-76665166233955 (READ-ONLY COPY).

The authoritative reference and input builder live on the scoring server;
editing this copy changes nothing except your own understanding.
"""

import jax, jax.numpy as jnp
import numpy as np

N_TOKENS = 16384
WORD_VOCAB = 1000000
SUFF_VOCAB = 1000
EMBED_DIM = 32
HALF_DIM = EMBED_DIM // 2


def setup_inputs(seed: int = 0) -> dict:
    key = jax.random.key(seed)
    k1, k2, k3, k4 = jax.random.split(key, 4)
    word_idx = jax.random.randint(k1, (N_TOKENS,), 0, WORD_VOCAB, dtype=jnp.int64) if jax.config.jax_enable_x64 else jax.random.randint(k1, (N_TOKENS,), 0, WORD_VOCAB, dtype=jnp.int32)
    suff_idx = jax.random.randint(k2, (N_TOKENS,), 0, SUFF_VOCAB, dtype=jnp.int32)
    W_word = jax.random.normal(k3, (WORD_VOCAB, HALF_DIM), dtype=jnp.float32)
    W_suff = jax.random.normal(k4, (SUFF_VOCAB, HALF_DIM), dtype=jnp.float32)
    return {"word_idx": word_idx, "suff_idx": suff_idx, "W_word": W_word, "W_suff": W_suff}


def reference(word_idx, suff_idx, W_word, W_suff):
    # Original module: for each word, gather word embedding and suffix embedding,
    # concatenate along feature dim -> (1, embedding_dim) per word.
    # Vectorized: gather all rows, concat -> (N, embedding_dim).
    word_emb = jnp.take(W_word, word_idx, axis=0)   # (N, HALF_DIM)
    suff_emb = jnp.take(W_suff, suff_idx, axis=0)   # (N, HALF_DIM)
    out = jnp.concatenate([word_emb, suff_emb], axis=1)  # (N, EMBED_DIM)
    return out

if __name__ == "__main__":
    import jax
    _d = setup_inputs()
    print(jax.jit(kernel)(*tuple(_d.values())))

</pallas_src>

<mosaic_0001>
#map = affine_map<(d0, d1) -> (0)>
#map1 = affine_map<(d0, d1) -> (0, 0)>
module attributes {stable_mosaic.version = 14 : i64} {
  func.func @_emb_lookup(%arg0: i32, %arg1: i32, %arg2: memref<16384xi32, #tpu.memory_space<hbm>>, %arg3: memref<16384xi32, #tpu.memory_space<hbm>>, %arg4: memref<16x1000000xf32, #tpu.memory_space<hbm>>, %arg5: memref<16x1000xf32, #tpu.memory_space<hbm>>, %arg6: memref<32x16384xf32, #tpu.memory_space<hbm>>, %arg7: memref<512xi32, #tpu.memory_space<vmem>>, %arg8: memref<512xi32, #tpu.memory_space<vmem>>, %arg9: memref<16x1000xf32, #tpu.memory_space<vmem>>, %arg10: memref<16x16x128xf32, #tpu.memory_space<vmem>>, %arg11: memref<32x512xf32, #tpu.memory_space<vmem>>, %arg12: memref<!tpu.dma_semaphore, #tpu.memory_space<semaphore_mem>>, %arg13: memref<!tpu.dma_semaphore, #tpu.memory_space<semaphore_mem>>, %arg14: memref<!tpu.dma_semaphore, #tpu.memory_space<semaphore_mem>>, %arg15: memref<!tpu.dma_semaphore, #tpu.memory_space<semaphore_mem>>, %arg16: memref<!tpu.dma_semaphore, #tpu.memory_space<semaphore_mem>>, %arg17: memref<!tpu.dma_semaphore, #tpu.memory_space<semaphore_mem>>, %arg18: memref<!tpu.dma_semaphore, #tpu.memory_space<semaphore_mem>>, %arg19: memref<!tpu.dma_semaphore, #tpu.memory_space<semaphore_mem>>, %arg20: memref<!tpu.dma_semaphore, #tpu.memory_space<semaphore_mem>>, %arg21: memref<!tpu.dma_semaphore, #tpu.memory_space<semaphore_mem>>, %arg22: memref<!tpu.dma_semaphore, #tpu.memory_space<semaphore_mem>>, %arg23: memref<!tpu.dma_semaphore, #tpu.memory_space<semaphore_mem>>, %arg24: memref<!tpu.dma_semaphore, #tpu.memory_space<semaphore_mem>>, %arg25: memref<!tpu.dma_semaphore, #tpu.memory_space<semaphore_mem>>, %arg26: memref<!tpu.dma_semaphore, #tpu.memory_space<semaphore_mem>>, %arg27: memref<!tpu.dma_semaphore, #tpu.memory_space<semaphore_mem>>, %arg28: memref<!tpu.dma_semaphore, #tpu.memory_space<semaphore_mem>>) attributes {dimension_semantics = [#tpu.dimension_semantics<core_parallel>, #tpu.dimension_semantics<subcore_parallel>], iteration_bounds = array<i64: 2, 16>, scalar_prefetch = 0 : i64, scratch_operands = 22 : i64, tpu.core_type = #tpu.core_type<sc_vector_subcore>, window_params = [{transform_indices = #map}, {transform_indices = #map}, {transform_indices = #map1}, {transform_indices = #map1}, {transform_indices = #map1}]} {
    %mul3A = arith.constant 2 : i32
    %mul3A_0 = arith.muli %arg1, %mul3A : i32
    %add3A = arith.addi %mul3A_0, %arg0 : i32
    %mul3A_1 = arith.constant 512 : i32
    %mul3A_2 = arith.muli %add3A, %mul3A_1 : i32
    tpu.enqueue_dma source(%arg5 : memref<16x1000xf32, #tpu.memory_space<hbm>>) target(%arg9 : memref<16x1000xf32, #tpu.memory_space<vmem>>) target_semaphore(%arg28 : memref<!tpu.dma_semaphore, #tpu.memory_space<semaphore_mem>>)
    "tpu.region"() ({
      %run_scoped3A = tpu.sem_alloc : memref<!tpu.dma_semaphore, #tpu.memory_space<semaphore_mem>>
      %dma_start3A_324 = tpu.memref_slice %arg2[%mul3A_2] : memref<16384xi32, #tpu.memory_space<hbm>> -> memref<512xi32, #tpu.memory_space<hbm>>
      %dma_start3A_325 = tpu.memref_slice %arg2[%mul3A_2] : memref<16384xi32, #tpu.memory_space<hbm>> -> memref<512xi32, #tpu.memory_space<hbm>>
      tpu.enqueue_dma source(%dma_start3A_325 : memref<512xi32, #tpu.memory_space<hbm>>) target(%arg7 : memref<512xi32, #tpu.memory_space<vmem>>) target_semaphore(%run_scoped3A : memref<!tpu.dma_semaphore, #tpu.memory_space<semaphore_mem>>)
      %dma_wait3A = tpu.memref_slice %arg2[%mul3A_2] : memref<16384xi32, #tpu.memory_space<hbm>> -> memref<512xi32, #tpu.memory_space<hbm>>
      %dma_wait3A_326 = tpu.memref_slice %arg2[%mul3A_2] : memref<16384xi32, #tpu.memory_space<hbm>> -> memref<512xi32, #tpu.memory_space<hbm>>
      tpu.wait_dma2 semaphore(%run_scoped3A : memref<!tpu.dma_semaphore, #tpu.memory_space<semaphore_mem>>) src(%dma_wait3A_326 : memref<512xi32, #tpu.memory_space<hbm>>) dst(%arg7 : memref<512xi32, #tpu.memory_space<vmem>>)
      tpu.yield
    }) : () -> ()
    "tpu.region"() ({
      %run_scoped3A = tpu.sem_alloc : memref<!tpu.dma_semaphore, #tpu.memory_space<semaphore_mem>>
      %dma_start3A_324 = tpu.memref_slice %arg3[%mul3A_2] : memref<16384xi32, #tpu.memory_space<hbm>> -> memref<512xi32, #tpu.memory_space<hbm>>
      %dma_start3A_325 = tpu.memref_slice %arg3[%mul3A_2] : memref<16384xi32, #tpu.memory_space<hbm>> -> memref<512xi32, #tpu.memory_space<hbm>>
      tpu.enqueue_dma source(%dma_start3A_325 : memref<512xi32, #tpu.memory_space<hbm>>) target(%arg8 : memref<512xi32, #tpu.memory_space<vmem>>) target_semaphore(%run_scoped3A : memref<!tpu.dma_semaphore, #tpu.memory_space<semaphore_mem>>)
      %dma_wait3A = tpu.memref_slice %arg3[%mul3A_2] : memref<16384xi32, #tpu.memory_space<hbm>> -> memref<512xi32, #tpu.memory_space<hbm>>
      %dma_wait3A_326 = tpu.memref_slice %arg3[%mul3A_2] : memref<16384xi32, #tpu.memory_space<hbm>> -> memref<512xi32, #tpu.memory_space<hbm>>
      tpu.wait_dma2 semaphore(%run_scoped3A : memref<!tpu.dma_semaphore, #tpu.memory_space<semaphore_mem>>) src(%dma_wait3A_326 : memref<512xi32, #tpu.memory_space<hbm>>) dst(%arg8 : memref<512xi32, #tpu.memory_space<vmem>>)
      tpu.yield
    }) : () -> ()
    %get3A = arith.constant 0 : index
    %get3A_3 = tpu.vector_load %arg7[%get3A] {strides = array<i32>} : memref<512xi32, #tpu.memory_space<vmem>>, vector<16xi32>,
    %slice3A = vector.extract_strided_slice %get3A_3 {offsets = [0], sizes = [1], strides = [1]} : vector<16xi32> to vector<1xi32>
    %squeeze3A = vector.extract %slice3A[0] : i32 from vector<1xi32>
    %shift_right_arithmetic3A = arith.constant 7 : i32
    %shift_right_arithmetic3A_4 = arith.shrsi %squeeze3A, %shift_right_arithmetic3A : i32
    %mul3A_5 = arith.constant 128 : i32
    %mul3A_6 = arith.muli %shift_right_arithmetic3A_4, %mul3A_5 : i32
    %multiple_of3A = tpu.assume_multiple %mul3A_6, 128 : i32
    %dma_start3A = arith.constant 0 : i32
    %dma_start3A_7 = arith.constant 0 : i32
    %dma_start3A_8 = arith.constant 0 : i32
    %dma_start3A_9 = tpu.memref_slice %arg10[%dma_start3A, %dma_start3A_7, %dma_start3A_8] : memref<16x16x128xf32, #tpu.memory_space<vmem>> -> memref<1x16x128xf32, #tpu.memory_space<vmem>>
    %dma_start3A_10 = tpu.memref_squeeze %dma_start3A_9 : memref<1x16x128xf32, #tpu.memory_space<vmem>> -> memref<16x128xf32, #tpu.memory_space<vmem>>
    %dma_start3A_11 = arith.constant 0 : i32
    %dma_start3A_12 = tpu.memref_slice %arg4[%dma_start3A_11, %multiple_of3A] : memref<16x1000000xf32, #tpu.memory_space<hbm>> -> memref<16x128xf32, #tpu.memory_space<hbm>>
    %dma_start3A_13 = arith.constant 0 : i32
    %dma_start3A_14 = arith.constant 0 : i32
    %dma_start3A_15 = tpu.memref_slice %arg10[%dma_start3A, %dma_start3A_13, %dma_start3A_14] : memref<16x16x128xf32, #tpu.memory_space<vmem>> -> memref<1x16x128xf32, #tpu.memory_space<vmem>>
    %dma_start3A_16 = tpu.memref_squeeze %dma_start3A_15 : memref<1x16x128xf32, #tpu.memory_space<vmem>> -> memref<16x128xf32, #tpu.memory_space<vmem>>
    %dma_start3A_17 = arith.constant 0 : i32
    %dma_start3A_18 = tpu.memref_slice %arg4[%dma_start3A_17, %multiple_of3A] : memref<16x1000000xf32, #tpu.memory_space<hbm>> -> memref<16x128xf32, #tpu.memory_space<hbm>>
    tpu.enqueue_dma source(%dma_start3A_18 : memref<16x128xf32, #tpu.memory_space<hbm>>) target(%dma_start3A_16 : memref<16x128xf32, #tpu.memory_space<vmem>>) target_semaphore(%arg12 : memref<!tpu.dma_semaphore, #tpu.memory_space<semaphore_mem>>)
    %slice3A_19 = vector.extract_strided_slice %get3A_3 {offsets = [1], sizes = [1], strides = [1]} : vector<16xi32> to vector<1xi32>
    %squeeze3A_20 = vector.extract %slice3A_19[0] : i32 from vector<1xi32>
    %shift_right_arithmetic3A_21 = arith.constant 7 : i32
    %shift_right_arithmetic3A_22 = arith.shrsi %squeeze3A_20, %shift_right_arithmetic3A_21 : i32
    %mul3A_23 = arith.constant 128 : i32
    %mul3A_24 = arith.muli %shift_right_arithmetic3A_22, %mul3A_23 : i32
    %multiple_of3A_25 = tpu.assume_multiple %mul3A_24, 128 : i32
    %dma_start3A_26 = arith.constant 1 : i32
    %dma_start3A_27 = arith.constant 0 : i32
    %dma_start3A_28 = arith.constant 0 : i32
    %dma_start3A_29 = tpu.memref_slice %arg10[%dma_start3A_26, %dma_start3A_27, %dma_start3A_28] : memref<16x16x128xf32, #tpu.memory_space<vmem>> -> memref<1x16x128xf32, #tpu.memory_space<vmem>>
    %dma_start3A_30 = tpu.memref_squeeze %dma_start3A_29 : memref<1x16x128xf32, #tpu.memory_space<vmem>> -> memref<16x128xf32, #tpu.memory_space<vmem>>
    %dma_start3A_31 = arith.constant 0 : i32
    %dma_start3A_32 = tpu.memref_slice %arg4[%dma_start3A_31, %multiple_of3A_25] : memref<16x1000000xf32, #tpu.memory_space<hbm>> -> memref<16x128xf32, #tpu.memory_space<hbm>>
    %dma_start3A_33 = arith.constant 0 : i32
    %dma_start3A_34 = arith.constant 0 : i32
    %dma_start3A_35 = tpu.memref_slice %arg10[%dma_start3A_26, %dma_start3A_33, %dma_start3A_34] : memref<16x16x128xf32, #tpu.memory_space<vmem>> -> memref<1x16x128xf32, #tpu.memory_space<vmem>>
    %dma_start3A_36 = tpu.memref_squeeze %dma_start3A_35 : memref<1x16x128xf32, #tpu.memory_space<vmem>> -> memref<16x128xf32, #tpu.memory_space<vmem>>
    %dma_start3A_37 = arith.constant 0 : i32
    %dma_start3A_38 = tpu.memref_slice %arg4[%dma_start3A_37, %multiple_of3A_25] : memref<16x1000000xf32, #tpu.memory_space<hbm>> -> memref<16x128xf32, #tpu.memory_space<hbm>>
    tpu.enqueue_dma source(%dma_start3A_38 : memref<16x128xf32, #tpu.memory_space<hbm>>) target(%dma_start3A_36 : memref<16x128xf32, #tpu.memory_space<vmem>>) target_semaphore(%arg13 : memref<!tpu.dma_semaphore, #tpu.memory_space<semaphore_mem>>)
    %slice3A_39 = vector.extract_strided_slice %get3A_3 {offsets = [2], sizes = [1], strides = [1]} : vector<16xi32> to vector<1xi32>
    %squeeze3A_40 = vector.extract %slice3A_39[0] : i32 from vector<1xi32>
    %shift_right_arithmetic3A_41 = arith.constant 7 : i32
    %shift_right_arithmetic3A_42 = arith.shrsi %squeeze3A_40, %shift_right_arithmetic3A_41 : i32
    %mul3A_43 = arith.constant 128 : i32
    %mul3A_44 = arith.muli %shift_right_arithmetic3A_42, %mul3A_43 : i32
    %multiple_of3A_45 = tpu.assume_multiple %mul3A_44, 128 : i32
    %dma_start3A_46 = arith.constant 2 : i32
    %dma_start3A_47 = arith.constant 0 : i32
    %dma_start3A_48 = arith.constant 0 : i32
    %dma_start3A_49 = tpu.memref_slice %arg10[%dma_start3A_46, %dma_start3A_47, %dma_start3A_48] : memref<16x16x128xf32, #tpu.memory_space<vmem>> -> memref<1x16x128xf32, #tpu.memory_space<vmem>>
    %dma_start3A_50 = tpu.memref_squeeze %dma_start3A_49 : memref<1x16x128xf32, #tpu.memory_space<vmem>> -> memref<16x128xf32, #tpu.memory_space<vmem>>
    %dma_start3A_51 = arith.constant 0 : i32
    %dma_start3A_52 = tpu.memref_slice %arg4[%dma_start3A_51, %multiple_of3A_45] : memref<16x1000000xf32, #tpu.memory_space<hbm>> -> memref<16x128xf32, #tpu.memory_space<hbm>>
    %dma_start3A_53 = arith.constant 0 : i32
    %dma_start3A_54 = arith.constant 0 : i32
    %dma_start3A_55 = tpu.memref_slice %arg10[%dma_start3A_46, %dma_start3A_53, %dma_start3A_54] : memref<16x16x128xf32, #tpu.memory_space<vmem>> -> memref<1x16x128xf32, #tpu.memory_space<vmem>>
    %dma_start3A_56 = tpu.memref_squeeze %dma_start3A_55 : memref<1x16x128xf32, #tpu.memory_space<vmem>> -> memref<16x128xf32, #tpu.memory_space<vmem>>
    %dma_start3A_57 = arith.constant 0 : i32
    %dma_start3A_58 = tpu.memref_slice %arg4[%dma_start3A_57, %multiple_of3A_45] : memref<16x1000000xf32, #tpu.memory_space<hbm>> -> memref<16x128xf32, #tpu.memory_space<hbm>>
    tpu.enqueue_dma source(%dma_start3A_58 : memref<16x128xf32, #tpu.memory_space<hbm>>) target(%dma_start3A_56 : memref<16x128xf32, #tpu.memory_space<vmem>>) target_semaphore(%arg14 : memref<!tpu.dma_semaphore, #tpu.memory_space<semaphore_mem>>)
    %slice3A_59 = vector.extract_strided_slice %get3A_3 {offsets = [3], sizes = [1], strides = [1]} : vector<16xi32> to vector<1xi32>
    %squeeze3A_60 = vector.extract %slice3A_59[0] : i32 from vector<1xi32>
    %shift_right_arithmetic3A_61 = arith.constant 7 : i32
    %shift_right_arithmetic3A_62 = arith.shrsi %squeeze3A_60, %shift_right_arithmetic3A_61 : i32
    %mul3A_63 = arith.constant 128 : i32
    %mul3A_64 = arith.muli %shift_right_arithmetic3A_62, %mul3A_63 : i32
    %multiple_of3A_65 = tpu.assume_multiple %mul3A_64, 128 : i32
    %dma_start3A_66 = arith.constant 3 : i32
    %dma_start3A_67 = arith.constant 0 : i32
    %dma_start3A_68 = arith.constant 0 : i32
    %dma_start3A_69 = tpu.memref_slice %arg10[%dma_start3A_66, %dma_start3A_67, %dma_start3A_68] : memref<16x16x128xf32, #tpu.memory_space<vmem>> -> memref<1x16x128xf32, #tpu.memory_space<vmem>>
    %dma_start3A_70 = tpu.memref_squeeze %dma_start3A_69 : memref<1x16x128xf32, #tpu.memory_space<vmem>> -> memref<16x128xf32, #tpu.memory_space<vmem>>
    %dma_start3A_71 = arith.constant 0 : i32
    %dma_start3A_72 = tpu.memref_slice %arg4[%dma_start3A_71, %multiple_of3A_65] : memref<16x1000000xf32, #tpu.memory_space<hbm>> -> memref<16x128xf32, #tpu.memory_space<hbm>>
    %dma_start3A_73 = arith.constant 0 : i32
    %dma_start3A_74 = arith.constant 0 : i32
    %dma_start3A_75 = tpu.memref_slice %arg10[%dma_start3A_66, %dma_start3A_73, %dma_start3A_74] : memref<16x16x128xf32, #tpu.memory_space<vmem>> -> memref<1x16x128xf32, #tpu.memory_space<vmem>>
    %dma_start3A_76 = tpu.memref_squeeze %dma_start3A_75 : memref<1x16x128xf32, #tpu.memory_space<vmem>> -> memref<16x128xf32, #tpu.memory_space<vmem>>
    %dma_start3A_77 = arith.constant 0 : i32
    %dma_start3A_78 = tpu.memref_slice %arg4[%dma_start3A_77, %multiple_of3A_65] : memref<16x1000000xf32, #tpu.memory_space<hbm>> -> memref<16x128xf32, #tpu.memory_space<hbm>>
    tpu.enqueue_dma source(%dma_start3A_78 : memref<16x128xf32, #tpu.memory_space<hbm>>) target(%dma_start3A_76 : memref<16x128xf32, #tpu.memory_space<vmem>>) target_semaphore(%arg15 : memref<!tpu.dma_semaphore, #tpu.memory_space<semaphore_mem>>)
    %slice3A_79 = vector.extract_strided_slice %get3A_3 {offsets = [4], sizes = [1], strides = [1]} : vector<16xi32> to vector<1xi32>
    %squeeze3A_80 = vector.extract %slice3A_79[0] : i32 from vector<1xi32>
    %shift_right_arithmetic3A_81 = arith.constant 7 : i32
    %shift_right_arithmetic3A_82 = arith.shrsi %squeeze3A_80, %shift_right_arithmetic3A_81 : i32
    %mul3A_83 = arith.constant 128 : i32
    %mul3A_84 = arith.muli %shift_right_arithmetic3A_82, %mul3A_83 : i32
    %multiple_of3A_85 = tpu.assume_multiple %mul3A_84, 128 : i32
    %dma_start3A_86 = arith.constant 4 : i32
    %dma_start3A_87 = arith.constant 0 : i32
    %dma_start3A_88 = arith.constant 0 : i32
    %dma_start3A_89 = tpu.memref_slice %arg10[%dma_start3A_86, %dma_start3A_87, %dma_start3A_88] : memref<16x16x128xf32, #tpu.memory_space<vmem>> -> memref<1x16x128xf32, #tpu.memory_space<vmem>>
    %dma_start3A_90 = tpu.memref_squeeze %dma_start3A_89 : memref<1x16x128xf32, #tpu.memory_space<vmem>> -> memref<16x128xf32, #tpu.memory_space<vmem>>
    %dma_start3A_91 = arith.constant 0 : i32
    %dma_start3A_92 = tpu.memref_slice %arg4[%dma_start3A_91, %multiple_of3A_85] : memref<16x1000000xf32, #tpu.memory_space<hbm>> -> memref<16x128xf32, #tpu.memory_space<hbm>>
    %dma_start3A_93 = arith.constant 0 : i32
    %dma_start3A_94 = arith.constant 0 : i32
    %dma_start3A_95 = tpu.memref_slice %arg10[%dma_start3A_86, %dma_start3A_93, %dma_start3A_94] : memref<16x16x128xf32, #tpu.memory_space<vmem>> -> memref<1x16x128xf32, #tpu.memory_space<vmem>>
    %dma_start3A_96 = tpu.memref_squeeze %dma_start3A_95 : memref<1x16x128xf32, #tpu.memory_space<vmem>> -> memref<16x128xf32, #tpu.memory_space<vmem>>
    %dma_start3A_97 = arith.constant 0 : i32
    %dma_start3A_98 = tpu.memref_slice %arg4[%dma_start3A_97, %multiple_of3A_85] : memref<16x1000000xf32, #tpu.memory_space<hbm>> -> memref<16x128xf32, #tpu.memory_space<hbm>>
    tpu.enqueue_dma source(%dma_start3A_98 : memref<16x128xf32, #tpu.memory_space<hbm>>) target(%dma_start3A_96 : memref<16x128xf32, #tpu.memory_space<vmem>>) target_semaphore(%arg16 : memref<!tpu.dma_semaphore, #tpu.memory_space<semaphore_mem>>)
    %slice3A_99 = vector.extract_strided_slice %get3A_3 {offsets = [5], sizes = [1], strides = [1]} : vector<16xi32> to vector<1xi32>
    %squeeze3A_100 = vector.extract %slice3A_99[0] : i32 from vector<1xi32>
    %shift_right_arithmetic3A_101 = arith.constant 7 : i32
    %shift_right_arithmetic3A_102 = arith.shrsi %squeeze3A_100, %shift_right_arithmetic3A_101 : i32
    %mul3A_103 = arith.constant 128 : i32
    %mul3A_104 = arith.muli %shift_right_arithmetic3A_102, %mul3A_103 : i32
    %multiple_of3A_105 = tpu.assume_multiple %mul3A_104, 128 : i32
    %dma_start3A_106 = arith.constant 5 : i32
    %dma_start3A_107 = arith.constant 0 : i32
    %dma_start3A_108 = arith.constant 0 : i32
    %dma_start3A_109 = tpu.memref_slice %arg10[%dma_start3A_106, %dma_start3A_107, %dma_start3A_108] : memref<16x16x128xf32, #tpu.memory_space<vmem>> -> memref<1x16x128xf32, #tpu.memory_space<vmem>>
    %dma_start3A_110 = tpu.memref_squeeze %dma_start3A_109 : memref<1x16x128xf32, #tpu.memory_space<vmem>> -> memref<16x128xf32, #tpu.memory_space<vmem>>
    %dma_start3A_111 = arith.constant 0 : i32
    %dma_start3A_112 = tpu.memref_slice %arg4[%dma_start3A_111, %multiple_of3A_105] : memref<16x1000000xf32, #tpu.memory_space<hbm>> -> memref<16x128xf32, #tpu.memory_space<hbm>>
    %dma_start3A_113 = arith.constant 0 : i32
    %dma_start3A_114 = arith.constant 0 : i32
    %dma_start3A_115 = tpu.memref_slice %arg10[%dma_start3A_106, %dma_start3A_113, %dma_start3A_114] : memref<16x16x128xf32, #tpu.memory_space<vmem>> -> memref<1x16x128xf32, #tpu.memory_space<vmem>>
    %dma_start3A_116 = tpu.memref_squeeze %dma_start3A_115 : memref<1x16x128xf32, #tpu.memory_space<vmem>> -> memref<16x128xf32, #tpu.memory_space<vmem>>
    %dma_start3A_117 = arith.constant 0 : i32
    %dma_start3A_118 = tpu.memref_slice %arg4[%dma_start3A_117, %multiple_of3A_105] : memref<16x1000000xf32, #tpu.memory_space<hbm>> -> memref<16x128xf32, #tpu.memory_space<hbm>>
    tpu.enqueue_dma source(%dma_start3A_118 : memref<16x128xf32, #tpu.memory_space<hbm>>) target(%dma_start3A_116 : memref<16x128xf32, #tpu.memory_space<vmem>>) target_semaphore(%arg17 : memref<!tpu.dma_semaphore, #tpu.memory_space<semaphore_mem>>)
    %slice3A_119 = vector.extract_strided_slice %get3A_3 {offsets = [6], sizes = [1], strides = [1]} : vector<16xi32> to vector<1xi32>
    %squeeze3A_120 = vector.extract %slice3A_119[0] : i32 from vector<1xi32>
    %shift_right_arithmetic3A_121 = arith.constant 7 : i32
    %shift_right_arithmetic3A_122 = arith.shrsi %squeeze3A_120, %shift_right_arithmetic3A_121 : i32
    %mul3A_123 = arith.constant 128 : i32
    %mul3A_124 = arith.muli %shift_right_arithmetic3A_122, %mul3A_123 : i32
    %multiple_of3A_125 = tpu.assume_multiple %mul3A_124, 128 : i32
    %dma_start3A_126 = arith.constant 6 : i32
    %dma_start3A_127 = arith.constant 0 : i32
    %dma_start3A_128 = arith.constant 0 : i32
    %dma_start3A_129 = tpu.memref_slice %arg10[%dma_start3A_126, %dma_start3A_127, %dma_start3A_128] : memref<16x16x128xf32, #tpu.memory_space<vmem>> -> memref<1x16x128xf32, #tpu.memory_space<vmem>>
    %dma_start3A_130 = tpu.memref_squeeze %dma_start3A_129 : memref<1x16x128xf32, #tpu.memory_space<vmem>> -> memref<16x128xf32, #tpu.memory_space<vmem>>
    %dma_start3A_131 = arith.constant 0 : i32
    %dma_start3A_132 = tpu.memref_slice %arg4[%dma_start3A_131, %multiple_of3A_125] : memref<16x1000000xf32, #tpu.memory_space<hbm>> -> memref<16x128xf32, #tpu.memory_space<hbm>>
    %dma_start3A_133 = arith.constant 0 : i32
    %dma_start3A_134 = arith.constant 0 : i32
    %dma_start3A_135 = tpu.memref_slice %arg10[%dma_start3A_126, %dma_start3A_133, %dma_start3A_134] : memref<16x16x128xf32, #tpu.memory_space<vmem>> -> memref<1x16x128xf32, #tpu.memory_space<vmem>>
    %dma_start3A_136 = tpu.memref_squeeze %dma_start3A_135 : memref<1x16x128xf32, #tpu.memory_space<vmem>> -> memref<16x128xf32, #tpu.memory_space<vmem>>
    %dma_start3A_137 = arith.constant 0 : i32
    %dma_start3A_138 = tpu.memref_slice %arg4[%dma_start3A_137, %multiple_of3A_125] : memref<16x1000000xf32, #tpu.memory_space<hbm>> -> memref<16x128xf32, #tpu.memory_space<hbm>>
    tpu.enqueue_dma source(%dma_start3A_138 : memref<16x128xf32, #tpu.memory_space<hbm>>) target(%dma_start3A_136 : memref<16x128xf32, #tpu.memory_space<vmem>>) target_semaphore(%arg18 : memref<!tpu.dma_semaphore, #tpu.memory_space<semaphore_mem>>)
    %slice3A_139 = vector.extract_strided_slice %get3A_3 {offsets = [7], sizes = [1], strides = [1]} : vector<16xi32> to vector<1xi32>
    %squeeze3A_140 = vector.extract %slice3A_139[0] : i32 from vector<1xi32>
    %shift_right_arithmetic3A_141 = arith.constant 7 : i32
    %shift_right_arithmetic3A_142 = arith.shrsi %squeeze3A_140, %shift_right_arithmetic3A_141 : i32
    %mul3A_143 = arith.constant 128 : i32
    %mul3A_144 = arith.muli %shift_right_arithmetic3A_142, %mul3A_143 : i32
    %multiple_of3A_145 = tpu.assume_multiple %mul3A_144, 128 : i32
    %dma_start3A_146 = arith.constant 7 : i32
    %dma_start3A_147 = arith.constant 0 : i32
    %dma_start3A_148 = arith.constant 0 : i32
    %dma_start3A_149 = tpu.memref_slice %arg10[%dma_start3A_146, %dma_start3A_147, %dma_start3A_148] : memref<16x16x128xf32, #tpu.memory_space<vmem>> -> memref<1x16x128xf32, #tpu.memory_space<vmem>>
    %dma_start3A_150 = tpu.memref_squeeze %dma_start3A_149 : memref<1x16x128xf32, #tpu.memory_space<vmem>> -> memref<16x128xf32, #tpu.memory_space<vmem>>
    %dma_start3A_151 = arith.constant 0 : i32
    %dma_start3A_152 = tpu.memref_slice %arg4[%dma_start3A_151, %multiple_of3A_145] : memref<16x1000000xf32, #tpu.memory_space<hbm>> -> memref<16x128xf32, #tpu.memory_space<hbm>>
    %dma_start3A_153 = arith.constant 0 : i32
    %dma_start3A_154 = arith.constant 0 : i32
    %dma_start3A_155 = tpu.memref_slice %arg10[%dma_start3A_146, %dma_start3A_153, %dma_start3A_154] : memref<16x16x128xf32, #tpu.memory_space<vmem>> -> memref<1x16x128xf32, #tpu.memory_space<vmem>>
    %dma_start3A_156 = tpu.memref_squeeze %dma_start3A_155 : memref<1x16x128xf32, #tpu.memory_space<vmem>> -> memref<16x128xf32, #tpu.memory_space<vmem>>
    %dma_start3A_157 = arith.constant 0 : i32
    %dma_start3A_158 = tpu.memref_slice %arg4[%dma_start3A_157, %multiple_of3A_145] : memref<16x1000000xf32, #tpu.memory_space<hbm>> -> memref<16x128xf32, #tpu.memory_space<hbm>>
    tpu.enqueue_dma source(%dma_start3A_158 : memref<16x128xf32, #tpu.memory_space<hbm>>) target(%dma_start3A_156 : memref<16x128xf32, #tpu.memory_space<vmem>>) target_semaphore(%arg19 : memref<!tpu.dma_semaphore, #tpu.memory_space<semaphore_mem>>)
    %slice3A_159 = vector.extract_strided_slice %get3A_3 {offsets = [8], sizes = [1], strides = [1]} : vector<16xi32> to vector<1xi32>
    %squeeze3A_160 = vector.extract %slice3A_159[0] : i32 from vector<1xi32>
    %shift_right_arithmetic3A_161 = arith.constant 7 : i32
    %shift_right_arithmetic3A_162 = arith.shrsi %squeeze3A_160, %shift_right_arithmetic3A_161 : i32
    %mul3A_163 = arith.constant 128 : i32
    %mul3A_164 = arith.muli %shift_right_arithmetic3A_162, %mul3A_163 : i32
    %multiple_of3A_165 = tpu.assume_multiple %mul3A_164, 128 : i32
    %dma_start3A_166 = arith.constant 8 : i32
    %dma_start3A_167 = arith.constant 0 : i32
    %dma_start3A_168 = arith.constant 0 : i32
    %dma_start3A_169 = tpu.memref_slice %arg10[%dma_start3A_166, %dma_start3A_167, %dma_start3A_168] : memref<16x16x128xf32, #tpu.memory_space<vmem>> -> memref<1x16x128xf32, #tpu.memory_space<vmem>>
    %dma_start3A_170 = tpu.memref_squeeze %dma_start3A_169 : memref<1x16x128xf32, #tpu.memory_space<vmem>> -> memref<16x128xf32, #tpu.memory_space<vmem>>
    %dma_start3A_171 = arith.constant 0 : i32
    %dma_start3A_172 = tpu.memref_slice %arg4[%dma_start3A_171, %multiple_of3A_165] : memref<16x1000000xf32, #tpu.memory_space<hbm>> -> memref<16x128xf32, #tpu.memory_space<hbm>>
    %dma_start3A_173 = arith.constant 0 : i32
    %dma_start3A_174 = arith.constant 0 : i32
    %dma_start3A_175 = tpu.memref_slice %arg10[%dma_start3A_166, %dma_start3A_173, %dma_start3A_174] : memref<16x16x128xf32, #tpu.memory_space<vmem>> -> memref<1x16x128xf32, #tpu.memory_space<vmem>>
    %dma_start3A_176 = tpu.memref_squeeze %dma_start3A_175 : memref<1x16x128xf32, #tpu.memory_space<vmem>> -> memref<16x128xf32, #tpu.memory_space<vmem>>
    %dma_start3A_177 = arith.constant 0 : i32
    %dma_start3A_178 = tpu.memref_slice %arg4[%dma_start3A_177, %multiple_of3A_165] : memref<16x1000000xf32, #tpu.memory_space<hbm>> -> memref<16x128xf32, #tpu.memory_space<hbm>>
    tpu.enqueue_dma source(%dma_start3A_178 : memref<16x128xf32, #tpu.memory_space<hbm>>) target(%dma_start3A_176 : memref<16x128xf32, #tpu.memory_space<vmem>>) target_semaphore(%arg20 : memref<!tpu.dma_semaphore, #tpu.memory_space<semaphore_mem>>)
    %slice3A_179 = vector.extract_strided_slice %get3A_3 {offsets = [9], sizes = [1], strides = [1]} : vector<16xi32> to vector<1xi32>
    %squeeze3A_180 = vector.extract %slice3A_179[0] : i32 from vector<1xi32>
    %shift_right_arithmetic3A_181 = arith.constant 7 : i32
    %shift_right_arithmetic3A_182 = arith.shrsi %squeeze3A_180, %shift_right_arithmetic3A_181 : i32
    %mul3A_183 = arith.constant 128 : i32
    %mul3A_184 = arith.muli %shift_right_arithmetic3A_182, %mul3A_183 : i32
    %multiple_of3A_185 = tpu.assume_multiple %mul3A_184, 128 : i32
    %dma_start3A_186 = arith.constant 9 : i32
    %dma_start3A_187 = arith.constant 0 : i32
    %dma_start3A_188 = arith.constant 0 : i32
    %dma_start3A_189 = tpu.memref_slice %arg10[%dma_start3A_186, %dma_start3A_187, %dma_start3A_188] : memref<16x16x128xf32, #tpu.memory_space<vmem>> -> memref<1x16x128xf32, #tpu.memory_space<vmem>>
    %dma_start3A_190 = tpu.memref_squeeze %dma_start3A_189 : memref<1x16x128xf32, #tpu.memory_space<vmem>> -> memref<16x128xf32, #tpu.memory_space<vmem>>
    %dma_start3A_191 = arith.constant 0 : i32
    %dma_start3A_192 = tpu.memref_slice %arg4[%dma_start3A_191, %multiple_of3A_185] : memref<16x1000000xf32, #tpu.memory_space<hbm>> -> memref<16x128xf32, #tpu.memory_space<hbm>>
    %dma_start3A_193 = arith.constant 0 : i32
    %dma_start3A_194 = arith.constant 0 : i32
    %dma_start3A_195 = tpu.memref_slice %arg10[%dma_start3A_186, %dma_start3A_193, %dma_start3A_194] : memref<16x16x128xf32, #tpu.memory_space<vmem>> -> memref<1x16x128xf32, #tpu.memory_space<vmem>>
    %dma_start3A_196 = tpu.memref_squeeze %dma_start3A_195 : memref<1x16x128xf32, #tpu.memory_space<vmem>> -> memref<16x128xf32, #tpu.memory_space<vmem>>
    %dma_start3A_197 = arith.constant 0 : i32
    %dma_start3A_198 = tpu.memref_slice %arg4[%dma_start3A_197, %multiple_of3A_185] : memref<16x1000000xf32, #tpu.memory_space<hbm>> -> memref<16x128xf32, #tpu.memory_space<hbm>>
    tpu.enqueue_dma source(%dma_start3A_198 : memref<16x128xf32, #tpu.memory_space<hbm>>) target(%dma_start3A_196 : memref<16x128xf32, #tpu.memory_space<vmem>>) target_semaphore(%arg21 : memref<!tpu.dma_semaphore, #tpu.memory_space<semaphore_mem>>)
    %slice3A_199 = vector.extract_strided_slice %get3A_3 {offsets = [10], sizes = [1], strides = [1]} : vector<16xi32> to vector<1xi32>
    %squeeze3A_200 = vector.extract %slice3A_199[0] : i32 from vector<1xi32>
    %shift_right_arithmetic3A_201 = arith.constant 7 : i32
    %shift_right_arithmetic3A_202 = arith.shrsi %squeeze3A_200, %shift_right_arithmetic3A_201 : i32
    %mul3A_203 = arith.constant 128 : i32
    %mul3A_204 = arith.muli %shift_right_arithmetic3A_202, %mul3A_203 : i32
    %multiple_of3A_205 = tpu.assume_multiple %mul3A_204, 128 : i32
    %dma_start3A_206 = arith.constant 10 : i32
    %dma_start3A_207 = arith.constant 0 : i32
    %dma_start3A_208 = arith.constant 0 : i32
    %dma_start3A_209 = tpu.memref_slice %arg10[%dma_start3A_206, %dma_start3A_207, %dma_start3A_208] : memref<16x16x128xf32, #tpu.memory_space<vmem>> -> memref<1x16x128xf32, #tpu.memory_space<vmem>>
    %dma_start3A_210 = tpu.memref_squeeze %dma_start3A_209 : memref<1x16x128xf32, #tpu.memory_space<vmem>> -> memref<16x128xf32, #tpu.memory_space<vmem>>
    %dma_start3A_211 = arith.constant 0 : i32
    %dma_start3A_212 = tpu.memref_slice %arg4[%dma_start3A_211, %multiple_of3A_205] : memref<16x1000000xf32, #tpu.memory_space<hbm>> -> memref<16x128xf32, #tpu.memory_space<hbm>>
    %dma_start3A_213 = arith.constant 0 : i32
    %dma_start3A_214 = arith.constant 0 : i32
    %dma_start3A_215 = tpu.memref_slice %arg10[%dma_start3A_206, %dma_start3A_213, %dma_start3A_214] : memref<16x16x128xf32, #tpu.memory_space<vmem>> -> memref<1x16x128xf32, #tpu.memory_space<vmem>>
    %dma_start3A_216 = tpu.memref_squeeze %dma_start3A_215 : memref<1x16x128xf32, #tpu.memory_space<vmem>> -> memref<16x128xf32, #tpu.memory_space<vmem>>
    %dma_start3A_217 = arith.constant 0 : i32
    %dma_start3A_218 = tpu.memref_slice %arg4[%dma_start3A_217, %multiple_of3A_205] : memref<16x1000000xf32, #tpu.memory_space<hbm>> -> memref<16x128xf32, #tpu.memory_space<hbm>>
    tpu.enqueue_dma source(%dma_start3A_218 : memref<16x128xf32, #tpu.memory_space<hbm>>) target(%dma_start3A_216 : memref<16x128xf32, #tpu.memory_space<vmem>>) target_semaphore(%arg22 : memref<!tpu.dma_semaphore, #tpu.memory_space<semaphore_mem>>)
    %slice3A_219 = vector.extract_strided_slice %get3A_3 {offsets = [11], sizes = [1], strides = [1]} : vector<16xi32> to vector<1xi32>
    %squeeze3A_220 = vector.extract %slice3A_219[0] : i32 from vector<1xi32>
    %shift_right_arithmetic3A_221 = arith.constant 7 : i32
    %shift_right_arithmetic3A_222 = arith.shrsi %squeeze3A_220, %shift_right_arithmetic3A_221 : i32
    %mul3A_223 = arith.constant 128 : i32
    %mul3A_224 = arith.muli %shift_right_arithmetic3A_222, %mul3A_223 : i32
    %multiple_of3A_225 = tpu.assume_multiple %mul3A_224, 128 : i32
    %dma_start3A_226 = arith.constant 11 : i32
    %dma_start3A_227 = arith.constant 0 : i32
    %dma_start3A_228 = arith.constant 0 : i32
    %dma_start3A_229 = tpu.memref_slice %arg10[%dma_start3A_226, %dma_start3A_227, %dma_start3A_228] : memref<16x16x128xf32, #tpu.memory_space<vmem>> -> memref<1x16x128xf32, #tpu.memory_space<vmem>>
    %dma_start3A_230 = tpu.memref_squeeze %dma_start3A_229 : memref<1x16x128xf32, #tpu.memory_space<vmem>> -> memref<16x128xf32, #tpu.memory_space<vmem>>
    %dma_start3A_231 = arith.constant 0 : i32
    %dma_start3A_232 = tpu.memref_slice %arg4[%dma_start3A_231, %multiple_of3A_225] : memref<16x1000000xf32, #tpu.memory_space<hbm>> -> memref<16x128xf32, #tpu.memory_space<hbm>>
    %dma_start3A_233 = arith.constant 0 : i32
    %dma_start3A_234 = arith.constant 0 : i32
    %dma_start3A_235 = tpu.memref_slice %arg10[%dma_start3A_226, %dma_start3A_233, %dma_start3A_234] : memref<16x16x128xf32, #tpu.memory_space<vmem>> -> memref<1x16x128xf32, #tpu.memory_space<vmem>>
    %dma_start3A_236 = tpu.memref_squeeze %dma_start3A_235 : memref<1x16x128xf32, #tpu.memory_space<vmem>> -> memref<16x128xf32, #tpu.memory_space<vmem>>
    %dma_start3A_237 = arith.constant 0 : i32
    %dma_start3A_238 = tpu.memref_slice %arg4[%dma_start3A_237, %multiple_of3A_225] : memref<16x1000000xf32, #tpu.memory_space<hbm>> -> memref<16x128xf32, #tpu.memory_space<hbm>>
    tpu.enqueue_dma source(%dma_start3A_238 : memref<16x128xf32, #tpu.memory_space<hbm>>) target(%dma_start3A_236 : memref<16x128xf32, #tpu.memory_space<vmem>>) target_semaphore(%arg23 : memref<!tpu.dma_semaphore, #tpu.memory_space<semaphore_mem>>)
    %slice3A_239 = vector.extract_strided_slice %get3A_3 {offsets = [12], sizes = [1], strides = [1]} : vector<16xi32> to vector<1xi32>
    %squeeze3A_240 = vector.extract %slice3A_239[0] : i32 from vector<1xi32>
    %shift_right_arithmetic3A_241 = arith.constant 7 : i32
    %shift_right_arithmetic3A_242 = arith.shrsi %squeeze3A_240, %shift_right_arithmetic3A_241 : i32
    %mul3A_243 = arith.constant 128 : i32
    %mul3A_244 = arith.muli %shift_right_arithmetic3A_242, %mul3A_243 : i32
    %multiple_of3A_245 = tpu.assume_multiple %mul3A_244, 128 : i32
    %dma_start3A_246 = arith.constant 12 : i32
    %dma_start3A_247 = arith.constant 0 : i32
    %dma_start3A_248 = arith.constant 0 : i32
    %dma_start3A_249 = tpu.memref_slice %arg10[%dma_start3A_246, %dma_start3A_247, %dma_start3A_248] : memref<16x16x128xf32, #tpu.memory_space<vmem>> -> memref<1x16x128xf32, #tpu.memory_space<vmem>>
    %dma_start3A_250 = tpu.memref_squeeze %dma_start3A_249 : memref<1x16x128xf32, #tpu.memory_space<vmem>> -> memref<16x128xf32, #tpu.memory_space<vmem>>
    %dma_start3A_251 = arith.constant 0 : i32
    %dma_start3A_252 = tpu.memref_slice %arg4[%dma_start3A_251, %multiple_of3A_245] : memref<16x1000000xf32, #tpu.memory_space<hbm>> -> memref<16x128xf32, #tpu.memory_space<hbm>>
    %dma_start3A_253 = arith.constant 0 : i32
    %dma_start3A_254 = arith.constant 0 : i32
    %dma_start3A_255 = tpu.memref_slice %arg10[%dma_start3A_246, %dma_start3A_253, %dma_start3A_254] : memref<16x16x128xf32, #tpu.memory_space<vmem>> -> memref<1x16x128xf32, #tpu.memory_space<vmem>>
    %dma_start3A_256 = tpu.memref_squeeze %dma_start3A_255 : memref<1x16x128xf32, #tpu.memory_space<vmem>> -> memref<16x128xf32, #tpu.memory_space<vmem>>
    %dma_start3A_257 = arith.constant 0 : i32
    %dma_start3A_258 = tpu.memref_slice %arg4[%dma_start3A_257, %multiple_of3A_245] : memref<16x1000000xf32, #tpu.memory_space<hbm>> -> memref<16x128xf32, #tpu.memory_space<hbm>>
    tpu.enqueue_dma source(%dma_start3A_258 : memref<16x128xf32, #tpu.memory_space<hbm>>) target(%dma_start3A_256 : memref<16x128xf32, #tpu.memory_space<vmem>>) target_semaphore(%arg24 : memref<!tpu.dma_semaphore, #tpu.memory_space<semaphore_mem>>)
    %slice3A_259 = vector.extract_strided_slice %get3A_3 {offsets = [13], sizes = [1], strides = [1]} : vector<16xi32> to vector<1xi32>
    %squeeze3A_260 = vector.extract %slice3A_259[0] : i32 from vector<1xi32>
    %shift_right_arithmetic3A_261 = arith.constant 7 : i32
    %shift_right_arithmetic3A_262 = arith.shrsi %squeeze3A_260, %shift_right_arithmetic3A_261 : i32
    %mul3A_263 = arith.constant 128 : i32
    %mul3A_264 = arith.muli %shift_right_arithmetic3A_262, %mul3A_263 : i32
    %multiple_of3A_265 = tpu.assume_multiple %mul3A_264, 128 : i32
    %dma_start3A_266 = arith.constant 13 : i32
    %dma_start3A_267 = arith.constant 0 : i32
    %dma_start3A_268 = arith.constant 0 : i32
    %dma_start3A_269 = tpu.memref_slice %arg10[%dma_start3A_266, %dma_start3A_267, %dma_start3A_268] : memref<16x16x128xf32, #tpu.memory_space<vmem>> -> memref<1x16x128xf32, #tpu.memory_space<vmem>>
    %dma_start3A_270 = tpu.memref_squeeze %dma_start3A_269 : memref<1x16x128xf32, #tpu.memory_space<vmem>> -> memref<16x128xf32, #tpu.memory_space<vmem>>
    %dma_start3A_271 = arith.constant 0 : i32
    %dma_start3A_272 = tpu.memref_slice %arg4[%dma_start3A_271, %multiple_of3A_265] : memref<16x1000000xf32, #tpu.memory_space<hbm>> -> memref<16x128xf32, #tpu.memory_space<hbm>>
    %dma_start3A_273 = arith.constant 0 : i32
    %dma_start3A_274 = arith.constant 0 : i32
    %dma_start3A_275 = tpu.memref_slice %arg10[%dma_start3A_266, %dma_start3A_273, %dma_start3A_274] : memref<16x16x128xf32, #tpu.memory_space<vmem>> -> memref<1x16x128xf32, #tpu.memory_space<vmem>>
    %dma_start3A_276 = tpu.memref_squeeze %dma_start3A_275 : memref<1x16x128xf32, #tpu.memory_space<vmem>> -> memref<16x128xf32, #tpu.memory_space<vmem>>
    %dma_start3A_277 = arith.constant 0 : i32
    %dma_start3A_278 = tpu.memref_slice %arg4[%dma_start3A_277, %multiple_of3A_265] : memref<16x1000000xf32, #tpu.memory_space<hbm>> -> memref<16x128xf32, #tpu.memory_space<hbm>>
    tpu.enqueue_dma source(%dma_start3A_278 : memref<16x128xf32, #tpu.memory_space<hbm>>) target(%dma_start3A_276 : memref<16x128xf32, #tpu.memory_space<vmem>>) target_semaphore(%arg25 : memref<!tpu.dma_semaphore, #tpu.memory_space<semaphore_mem>>)
    %slice3A_279 = vector.extract_strided_slice %get3A_3 {offsets = [14], sizes = [1], strides = [1]} : vector<16xi32> to vector<1xi32>
    %squeeze3A_280 = vector.extract %slice3A_279[0] : i32 from vector<1xi32>
    %shift_right_arithmetic3A_281 = arith.constant 7 : i32
    %shift_right_arithmetic3A_282 = arith.shrsi %squeeze3A_280, %shift_right_arithmetic3A_281 : i32
    %mul3A_283 = arith.constant 128 : i32
    %mul3A_284 = arith.muli %shift_right_arithmetic3A_282, %mul3A_283 : i32
    %multiple_of3A_285 = tpu.assume_multiple %mul3A_284, 128 : i32
    %dma_start3A_286 = arith.constant 14 : i32
    %dma_start3A_287 = arith.constant 0 : i32
    %dma_start3A_288 = arith.constant 0 : i32
    %dma_start3A_289 = tpu.memref_slice %arg10[%dma_start3A_286, %dma_start3A_287, %dma_start3A_288] : memref<16x16x128xf32, #tpu.memory_space<vmem>> -> memref<1x16x128xf32, #tpu.memory_space<vmem>>
    %dma_start3A_290 = tpu.memref_squeeze %dma_start3A_289 : memref<1x16x128xf32, #tpu.memory_space<vmem>> -> memref<16x128xf32, #tpu.memory_space<vmem>>
    %dma_start3A_291 = arith.constant 0 : i32
    %dma_start3A_292 = tpu.memref_slice %arg4[%dma_start3A_291, %multiple_of3A_285] : memref<16x1000000xf32, #tpu.memory_space<hbm>> -> memref<16x128xf32, #tpu.memory_space<hbm>>
    %dma_start3A_293 = arith.constant 0 : i32
    %dma_start3A_294 = arith.constant 0 : i32
    %dma_start3A_295 = tpu.memref_slice %arg10[%dma_start3A_286, %dma_start3A_293, %dma_start3A_294] : memref<16x16x128xf32, #tpu.memory_space<vmem>> -> memref<1x16x128xf32, #tpu.memory_space<vmem>>
    %dma_start3A_296 = tpu.memref_squeeze %dma_start3A_295 : memref<1x16x128xf32, #tpu.memory_space<vmem>> -> memref<16x128xf32, #tpu.memory_space<vmem>>
    %dma_start3A_297 = arith.constant 0 : i32
    %dma_start3A_298 = tpu.memref_slice %arg4[%dma_start3A_297, %multiple_of3A_285] : memref<16x1000000xf32, #tpu.memory_space<hbm>> -> memref<16x128xf32, #tpu.memory_space<hbm>>
    tpu.enqueue_dma source(%dma_start3A_298 : memref<16x128xf32, #tpu.memory_space<hbm>>) target(%dma_start3A_296 : memref<16x128xf32, #tpu.memory_space<vmem>>) target_semaphore(%arg26 : memref<!tpu.dma_semaphore, #tpu.memory_space<semaphore_mem>>)
    %slice3A_299 = vector.extract_strided_slice %get3A_3 {offsets = [15], sizes = [1], strides = [1]} : vector<16xi32> to vector<1xi32>
    %squeeze3A_300 = vector.extract %slice3A_299[0] : i32 from vector<1xi32>
    %shift_right_arithmetic3A_301 = arith.constant 7 : i32
    %shift_right_arithmetic3A_302 = arith.shrsi %squeeze3A_300, %shift_right_arithmetic3A_301 : i32
    %mul3A_303 = arith.constant 128 : i32
    %mul3A_304 = arith.muli %shift_right_arithmetic3A_302, %mul3A_303 : i32
    %multiple_of3A_305 = tpu.assume_multiple %mul3A_304, 128 : i32
    %dma_start3A_306 = arith.constant 15 : i32
    %dma_start3A_307 = arith.constant 0 : i32
    %dma_start3A_308 = arith.constant 0 : i32
    %dma_start3A_309 = tpu.memref_slice %arg10[%dma_start3A_306, %dma_start3A_307, %dma_start3A_308] : memref<16x16x128xf32, #tpu.memory_space<vmem>> -> memref<1x16x128xf32, #tpu.memory_space<vmem>>
    %dma_start3A_310 = tpu.memref_squeeze %dma_start3A_309 : memref<1x16x128xf32, #tpu.memory_space<vmem>> -> memref<16x128xf32, #tpu.memory_space<vmem>>
    %dma_start3A_311 = arith.constant 0 : i32
    %dma_start3A_312 = tpu.memref_slice %arg4[%dma_start3A_311, %multiple_of3A_305] : memref<16x1000000xf32, #tpu.memory_space<hbm>> -> memref<16x128xf32, #tpu.memory_space<hbm>>
    %dma_start3A_313 = arith.constant 0 : i32
    %dma_start3A_314 = arith.constant 0 : i32
    %dma_start3A_315 = tpu.memref_slice %arg10[%dma_start3A_306, %dma_start3A_313, %dma_start3A_314] : memref<16x16x128xf32, #tpu.memory_space<vmem>> -> memref<1x16x128xf32, #tpu.memory_space<vmem>>
    %dma_start3A_316 = tpu.memref_squeeze %dma_start3A_315 : memref<1x16x128xf32, #tpu.memory_space<vmem>> -> memref<16x128xf32, #tpu.memory_space<vmem>>
    %dma_start3A_317 = arith.constant 0 : i32
    %dma_start3A_318 = tpu.memref_slice %arg4[%dma_start3A_317, %multiple_of3A_305] : memref<16x1000000xf32, #tpu.memory_space<hbm>> -> memref<16x128xf32, #tpu.memory_space<hbm>>
    tpu.enqueue_dma source(%dma_start3A_318 : memref<16x128xf32, #tpu.memory_space<hbm>>) target(%dma_start3A_316 : memref<16x128xf32, #tpu.memory_space<vmem>>) target_semaphore(%arg27 : memref<!tpu.dma_semaphore, #tpu.memory_space<semaphore_mem>>)
    tpu.wait_dma2 semaphore(%arg28 : memref<!tpu.dma_semaphore, #tpu.memory_space<semaphore_mem>>) src(%arg5 : memref<16x1000xf32, #tpu.memory_space<hbm>>) dst(%arg9 : memref<16x1000xf32, #tpu.memory_space<vmem>>)
    %iota3A = tpu.iota {dimensions = array<i32: 0>} : vector<16xi32>
    %scan3A = arith.constant 0 : i32
    %scan3A_319 = arith.constant 0 : i32
    %scan3A_320 = arith.constant 32 : i32
    %scan3A_321 = arith.addi %scan3A_319, %scan3A_320 : i32
    %scan3A_322 = arith.constant 1 : i32
    scf.for %scan3A_324 = %scan3A_319 to %scan3A_321 step %scan3A_322  : i32 {
      %mul3A_325 = arith.constant 16 : i32
      %mul3A_326 = arith.muli %scan3A_324, %mul3A_325 : i32
      %get3A_327 = arith.index_cast %mul3A_326 : i32 to index
      %get3A_328 = tpu.vector_load %arg8[%get3A_327] {strides = array<i32>} : memref<512xi32, #tpu.memory_space<vmem>>, vector<16xi32>,
      %broadcast_in_dim3A = arith.constant 0 : i32
      %broadcast_in_dim3A_329 = vector.broadcast %broadcast_in_dim3A : i32 to vector<16xi32>
      %gather3A = tpu.vector_load_idx %arg9[%broadcast_in_dim3A_329, %get3A_328] : memref<16x1000xf32, #tpu.memory_space<vmem>>[vector<16xi32>, vector<16xi32>], vector<16xf32>,
      %mul3A_330 = arith.constant 16 : i32
      %mul3A_331 = arith.muli %scan3A_324, %mul3A_330 : i32
      %swap3A = arith.constant 16 : i32
      %swap3A_332 = arith.index_cast %swap3A : i32 to index
      %swap3A_333 = arith.index_cast %mul3A_331 : i32 to index
      %swap3A_334 = tpu.vector_load %arg11[%swap3A_332, %swap3A_333] {strides = array<i32>} : memref<32x512xf32, #tpu.memory_space<vmem>>, vector<16xf32>,
      tpu.vector_store %arg11[%swap3A_332, %swap3A_333], %gather3A {strides = array<i32>} : memref<32x512xf32, #tpu.memory_space<vmem>>, vector<16xf32>,
      %broadcast_in_dim3A_335 = arith.constant 1 : i32
      %broadcast_in_dim3A_336 = vector.broadcast %broadcast_in_dim3A_335 : i32 to vector<16xi32>
      %gather3A_337 = tpu.vector_load_idx %arg9[%broadcast_in_dim3A_336, %get3A_328] : memref<16x1000xf32, #tpu.memory_space<vmem>>[vector<16xi32>, vector<16xi32>], vector<16xf32>,
      %mul3A_338 = arith.constant 16 : i32
      %mul3A_339 = arith.muli %scan3A_324, %mul3A_338 : i32
      %swap3A_340 = arith.constant 17 : i32
      %swap3A_341 = arith.index_cast %swap3A_340 : i32 to index
      %swap3A_342 = arith.index_cast %mul3A_339 : i32 to index
      %swap3A_343 = tpu.vector_load %arg11[%swap3A_341, %swap3A_342] {strides = array<i32>} : memref<32x512xf32, #tpu.memory_space<vmem>>, vector<16xf32>,
      tpu.vector_store %arg11[%swap3A_341, %swap3A_342], %gather3A_337 {strides = array<i32>} : memref<32x512xf32, #tpu.memory_space<vmem>>, vector<16xf32>,
      %broadcast_in_dim3A_344 = arith.constant 2 : i32
      %broadcast_in_dim3A_345 = vector.broadcast %broadcast_in_dim3A_344 : i32 to vector<16xi32>
      %gather3A_346 = tpu.vector_load_idx %arg9[%broadcast_in_dim3A_345, %get3A_328] : memref<16x1000xf32, #tpu.memory_space<vmem>>[vector<16xi32>, vector<16xi32>], vector<16xf32>,
      %mul3A_347 = arith.constant 16 : i32
      %mul3A_348 = arith.muli %scan3A_324, %mul3A_347 : i32
      %swap3A_349 = arith.constant 18 : i32
      %swap3A_350 = arith.index_cast %swap3A_349 : i32 to index
      %swap3A_351 = arith.index_cast %mul3A_348 : i32 to index
      %swap3A_352 = tpu.vector_load %arg11[%swap3A_350, %swap3A_351] {strides = array<i32>} : memref<32x512xf32, #tpu.memory_space<vmem>>, vector<16xf32>,
      tpu.vector_store %arg11[%swap3A_350, %swap3A_351], %gather3A_346 {strides = array<i32>} : memref<32x512xf32, #tpu.memory_space<vmem>>, vector<16xf32>,
      %broadcast_in_dim3A_353 = arith.constant 3 : i32
      %broadcast_in_dim3A_354 = vector.broadcast %broadcast_in_dim3A_353 : i32 to vector<16xi32>
      %gather3A_355 = tpu.vector_load_idx %arg9[%broadcast_in_dim3A_354, %get3A_328] : memref<16x1000xf32, #tpu.memory_space<vmem>>[vector<16xi32>, vector<16xi32>], vector<16xf32>,
      %mul3A_356 = arith.constant 16 : i32
      %mul3A_357 = arith.muli %scan3A_324, %mul3A_356 : i32
      %swap3A_358 = arith.constant 19 : i32
      %swap3A_359 = arith.index_cast %swap3A_358 : i32 to index
      %swap3A_360 = arith.index_cast %mul3A_357 : i32 to index
      %swap3A_361 = tpu.vector_load %arg11[%swap3A_359, %swap3A_360] {strides = array<i32>} : memref<32x512xf32, #tpu.memory_space<vmem>>, vector<16xf32>,
      tpu.vector_store %arg11[%swap3A_359, %swap3A_360], %gather3A_355 {strides = array<i32>} : memref<32x512xf32, #tpu.memory_space<vmem>>, vector<16xf32>,
      %broadcast_in_dim3A_362 = arith.constant 4 : i32
      %broadcast_in_dim3A_363 = vector.broadcast %broadcast_in_dim3A_362 : i32 to vector<16xi32>
      %gather3A_364 = tpu.vector_load_idx %arg9[%broadcast_in_dim3A_363, %get3A_328] : memref<16x1000xf32, #tpu.memory_space<vmem>>[vector<16xi32>, vector<16xi32>], vector<16xf32>,
      %mul3A_365 = arith.constant 16 : i32
      %mul3A_366 = arith.muli %scan3A_324, %mul3A_365 : i32
      %swap3A_367 = arith.constant 20 : i32
      %swap3A_368 = arith.index_cast %swap3A_367 : i32 to index
      %swap3A_369 = arith.index_cast %mul3A_366 : i32 to index
      %swap3A_370 = tpu.vector_load %arg11[%swap3A_368, %swap3A_369] {strides = array<i32>} : memref<32x512xf32, #tpu.memory_space<vmem>>, vector<16xf32>,
      tpu.vector_store %arg11[%swap3A_368, %swap3A_369], %gather3A_364 {strides = array<i32>} : memref<32x512xf32, #tpu.memory_space<vmem>>, vector<16xf32>,
      %broadcast_in_dim3A_371 = arith.constant 5 : i32
      %broadcast_in_dim3A_372 = vector.broadcast %broadcast_in_dim3A_371 : i32 to vector<16xi32>
      %gather3A_373 = tpu.vector_load_idx %arg9[%broadcast_in_dim3A_372, %get3A_328] : memref<16x1000xf32, #tpu.memory_space<vmem>>[vector<16xi32>, vector<16xi32>], vector<16xf32>,
      %mul3A_374 = arith.constant 16 : i32
      %mul3A_375 = arith.muli %scan3A_324, %mul3A_374 : i32
      %swap3A_376 = arith.constant 21 : i32
      %swap3A_377 = arith.index_cast %swap3A_376 : i32 to index
      %swap3A_378 = arith.index_cast %mul3A_375 : i32 to index
      %swap3A_379 = tpu.vector_load %arg11[%swap3A_377, %swap3A_378] {strides = array<i32>} : memref<32x512xf32, #tpu.memory_space<vmem>>, vector<16xf32>,
      tpu.vector_store %arg11[%swap3A_377, %swap3A_378], %gather3A_373 {strides = array<i32>} : memref<32x512xf32, #tpu.memory_space<vmem>>, vector<16xf32>,
      %broadcast_in_dim3A_380 = arith.constant 6 : i32
      %broadcast_in_dim3A_381 = vector.broadcast %broadcast_in_dim3A_380 : i32 to vector<16xi32>
      %gather3A_382 = tpu.vector_load_idx %arg9[%broadcast_in_dim3A_381, %get3A_328] : memref<16x1000xf32, #tpu.memory_space<vmem>>[vector<16xi32>, vector<16xi32>], vector<16xf32>,
      %mul3A_383 = arith.constant 16 : i32
      %mul3A_384 = arith.muli %scan3A_324, %mul3A_383 : i32
      %swap3A_385 = arith.constant 22 : i32
      %swap3A_386 = arith.index_cast %swap3A_385 : i32 to index
      %swap3A_387 = arith.index_cast %mul3A_384 : i32 to index
      %swap3A_388 = tpu.vector_load %arg11[%swap3A_386, %swap3A_387] {strides = array<i32>} : memref<32x512xf32, #tpu.memory_space<vmem>>, vector<16xf32>,
      tpu.vector_store %arg11[%swap3A_386, %swap3A_387], %gather3A_382 {strides = array<i32>} : memref<32x512xf32, #tpu.memory_space<vmem>>, vector<16xf32>,
      %broadcast_in_dim3A_389 = arith.constant 7 : i32
      %broadcast_in_dim3A_390 = vector.broadcast %broadcast_in_dim3A_389 : i32 to vector<16xi32>
      %gather3A_391 = tpu.vector_load_idx %arg9[%broadcast_in_dim3A_390, %get3A_328] : memref<16x1000xf32, #tpu.memory_space<vmem>>[vector<16xi32>, vector<16xi32>], vector<16xf32>,
      %mul3A_392 = arith.constant 16 : i32
      %mul3A_393 = arith.muli %scan3A_324, %mul3A_392 : i32
      %swap3A_394 = arith.constant 23 : i32
      %swap3A_395 = arith.index_cast %swap3A_394 : i32 to index
      %swap3A_396 = arith.index_cast %mul3A_393 : i32 to index
      %swap3A_397 = tpu.vector_load %arg11[%swap3A_395, %swap3A_396] {strides = array<i32>} : memref<32x512xf32, #tpu.memory_space<vmem>>, vector<16xf32>,
      tpu.vector_store %arg11[%swap3A_395, %swap3A_396], %gather3A_391 {strides = array<i32>} : memref<32x512xf32, #tpu.memory_space<vmem>>, vector<16xf32>,
      %broadcast_in_dim3A_398 = arith.constant 8 : i32
      %broadcast_in_dim3A_399 = vector.broadcast %broadcast_in_dim3A_398 : i32 to vector<16xi32>
      %gather3A_400 = tpu.vector_load_idx %arg9[%broadcast_in_dim3A_399, %get3A_328] : memref<16x1000xf32, #tpu.memory_space<vmem>>[vector<16xi32>, vector<16xi32>], vector<16xf32>,
      %mul3A_401 = arith.constant 16 : i32
      %mul3A_402 = arith.muli %scan3A_324, %mul3A_401 : i32
      %swap3A_403 = arith.constant 24 : i32
      %swap3A_404 = arith.index_cast %swap3A_403 : i32 to index
      %swap3A_405 = arith.index_cast %mul3A_402 : i32 to index
      %swap3A_406 = tpu.vector_load %arg11[%swap3A_404, %swap3A_405] {strides = array<i32>} : memref<32x512xf32, #tpu.memory_space<vmem>>, vector<16xf32>,
      tpu.vector_store %arg11[%swap3A_404, %swap3A_405], %gather3A_400 {strides = array<i32>} : memref<32x512xf32, #tpu.memory_space<vmem>>, vector<16xf32>,
      %broadcast_in_dim3A_407 = arith.constant 9 : i32
      %broadcast_in_dim3A_408 = vector.broadcast %broadcast_in_dim3A_407 : i32 to vector<16xi32>
      %gather3A_409 = tpu.vector_load_idx %arg9[%broadcast_in_dim3A_408, %get3A_328] : memref<16x1000xf32, #tpu.memory_space<vmem>>[vector<16xi32>, vector<16xi32>], vector<16xf32>,
      %mul3A_410 = arith.constant 16 : i32
      %mul3A_411 = arith.muli %scan3A_324, %mul3A_410 : i32
      %swap3A_412 = arith.constant 25 : i32
      %swap3A_413 = arith.index_cast %swap3A_412 : i32 to index
      %swap3A_414 = arith.index_cast %mul3A_411 : i32 to index
      %swap3A_415 = tpu.vector_load %arg11[%swap3A_413, %swap3A_414] {strides = array<i32>} : memref<32x512xf32, #tpu.memory_space<vmem>>, vector<16xf32>,
      tpu.vector_store %arg11[%swap3A_413, %swap3A_414], %gather3A_409 {strides = array<i32>} : memref<32x512xf32, #tpu.memory_space<vmem>>, vector<16xf32>,
      %broadcast_in_dim3A_416 = arith.constant 10 : i32
      %broadcast_in_dim3A_417 = vector.broadcast %broadcast_in_dim3A_416 : i32 to vector<16xi32>
      %gather3A_418 = tpu.vector_load_idx %arg9[%broadcast_in_dim3A_417, %get3A_328] : memref<16x1000xf32, #tpu.memory_space<vmem>>[vector<16xi32>, vector<16xi32>], vector<16xf32>,
      %mul3A_419 = arith.constant 16 : i32
      %mul3A_420 = arith.muli %scan3A_324, %mul3A_419 : i32
      %swap3A_421 = arith.constant 26 : i32
      %swap3A_422 = arith.index_cast %swap3A_421 : i32 to index
      %swap3A_423 = arith.index_cast %mul3A_420 : i32 to index
      %swap3A_424 = tpu.vector_load %arg11[%swap3A_422, %swap3A_423] {strides = array<i32>} : memref<32x512xf32, #tpu.memory_space<vmem>>, vector<16xf32>,
      tpu.vector_store %arg11[%swap3A_422, %swap3A_423], %gather3A_418 {strides = array<i32>} : memref<32x512xf32, #tpu.memory_space<vmem>>, vector<16xf32>,
      %broadcast_in_dim3A_425 = arith.constant 11 : i32
      %broadcast_in_dim3A_426 = vector.broadcast %broadcast_in_dim3A_425 : i32 to vector<16xi32>
      %gather3A_427 = tpu.vector_load_idx %arg9[%broadcast_in_dim3A_426, %get3A_328] : memref<16x1000xf32, #tpu.memory_space<vmem>>[vector<16xi32>, vector<16xi32>], vector<16xf32>,
      %mul3A_428 = arith.constant 16 : i32
      %mul3A_429 = arith.muli %scan3A_324, %mul3A_428 : i32
      %swap3A_430 = arith.constant 27 : i32
      %swap3A_431 = arith.index_cast %swap3A_430 : i32 to index
      %swap3A_432 = arith.index_cast %mul3A_429 : i32 to index
      %swap3A_433 = tpu.vector_load %arg11[%swap3A_431, %swap3A_432] {strides = array<i32>} : memref<32x512xf32, #tpu.memory_space<vmem>>, vector<16xf32>,
      tpu.vector_store %arg11[%swap3A_431, %swap3A_432], %gather3A_427 {strides = array<i32>} : memref<32x512xf32, #tpu.memory_space<vmem>>, vector<16xf32>,
      %broadcast_in_dim3A_434 = arith.constant 12 : i32
      %broadcast_in_dim3A_435 = vector.broadcast %broadcast_in_dim3A_434 : i32 to vector<16xi32>
      %gather3A_436 = tpu.vector_load_idx %arg9[%broadcast_in_dim3A_435, %get3A_328] : memref<16x1000xf32, #tpu.memory_space<vmem>>[vector<16xi32>, vector<16xi32>], vector<16xf32>,
      %mul3A_437 = arith.constant 16 : i32
      %mul3A_438 = arith.muli %scan3A_324, %mul3A_437 : i32
      %swap3A_439 = arith.constant 28 : i32
      %swap3A_440 = arith.index_cast %swap3A_439 : i32 to index
      %swap3A_441 = arith.index_cast %mul3A_438 : i32 to index
      %swap3A_442 = tpu.vector_load %arg11[%swap3A_440, %swap3A_441] {strides = array<i32>} : memref<32x512xf32, #tpu.memory_space<vmem>>, vector<16xf32>,
      tpu.vector_store %arg11[%swap3A_440, %swap3A_441], %gather3A_436 {strides = array<i32>} : memref<32x512xf32, #tpu.memory_space<vmem>>, vector<16xf32>,
      %broadcast_in_dim3A_443 = arith.constant 13 : i32
      %broadcast_in_dim3A_444 = vector.broadcast %broadcast_in_dim3A_443 : i32 to vector<16xi32>
      %gather3A_445 = tpu.vector_load_idx %arg9[%broadcast_in_dim3A_444, %get3A_328] : memref<16x1000xf32, #tpu.memory_space<vmem>>[vector<16xi32>, vector<16xi32>], vector<16xf32>,
      %mul3A_446 = arith.constant 16 : i32
      %mul3A_447 = arith.muli %scan3A_324, %mul3A_446 : i32
      %swap3A_448 = arith.constant 29 : i32
      %swap3A_449 = arith.index_cast %swap3A_448 : i32 to index
      %swap3A_450 = arith.index_cast %mul3A_447 : i32 to index
      %swap3A_451 = tpu.vector_load %arg11[%swap3A_449, %swap3A_450] {strides = array<i32>} : memref<32x512xf32, #tpu.memory_space<vmem>>, vector<16xf32>,
      tpu.vector_store %arg11[%swap3A_449, %swap3A_450], %gather3A_445 {strides = array<i32>} : memref<32x512xf32, #tpu.memory_space<vmem>>, vector<16xf32>,
      %broadcast_in_dim3A_452 = arith.constant 14 : i32
      %broadcast_in_dim3A_453 = vector.broadcast %broadcast_in_dim3A_452 : i32 to vector<16xi32>
      %gather3A_454 = tpu.vector_load_idx %arg9[%broadcast_in_dim3A_453, %get3A_328] : memref<16x1000xf32, #tpu.memory_space<vmem>>[vector<16xi32>, vector<16xi32>], vector<16xf32>,
      %mul3A_455 = arith.constant 16 : i32
      %mul3A_456 = arith.muli %scan3A_324, %mul3A_455 : i32
      %swap3A_457 = arith.constant 30 : i32
      %swap3A_458 = arith.index_cast %swap3A_457 : i32 to index
      %swap3A_459 = arith.index_cast %mul3A_456 : i32 to index
      %swap3A_460 = tpu.vector_load %arg11[%swap3A_458, %swap3A_459] {strides = array<i32>} : memref<32x512xf32, #tpu.memory_space<vmem>>, vector<16xf32>,
      tpu.vector_store %arg11[%swap3A_458, %swap3A_459], %gather3A_454 {strides = array<i32>} : memref<32x512xf32, #tpu.memory_space<vmem>>, vector<16xf32>,
      %broadcast_in_dim3A_461 = arith.constant 15 : i32
      %broadcast_in_dim3A_462 = vector.broadcast %broadcast_in_dim3A_461 : i32 to vector<16xi32>
      %gather3A_463 = tpu.vector_load_idx %arg9[%broadcast_in_dim3A_462, %get3A_328] : memref<16x1000xf32, #tpu.memory_space<vmem>>[vector<16xi32>, vector<16xi32>], vector<16xf32>,
      %mul3A_464 = arith.constant 16 : i32
      %mul3A_465 = arith.muli %scan3A_324, %mul3A_464 : i32
      %swap3A_466 = arith.constant 31 : i32
      %swap3A_467 = arith.index_cast %swap3A_466 : i32 to index
      %swap3A_468 = arith.index_cast %mul3A_465 : i32 to index
      %swap3A_469 = tpu.vector_load %arg11[%swap3A_467, %swap3A_468] {strides = array<i32>} : memref<32x512xf32, #tpu.memory_space<vmem>>, vector<16xf32>,
      tpu.vector_store %arg11[%swap3A_467, %swap3A_468], %gather3A_463 {strides = array<i32>} : memref<32x512xf32, #tpu.memory_space<vmem>>, vector<16xf32>,
      %mul3A_470 = arith.constant 16 : i32
      %mul3A_471 = arith.muli %scan3A_324, %mul3A_470 : i32
      %get3A_472 = arith.index_cast %mul3A_471 : i32 to index
      %get3A_473 = tpu.vector_load %arg7[%get3A_472] {strides = array<i32>} : memref<512xi32, #tpu.memory_space<vmem>>, vector<16xi32>,
      %add3A_474 = arith.constant 1 : i32
      %add3A_475 = arith.addi %scan3A_324, %add3A_474 : i32
      %min3A = arith.constant 31 : i32
      %min3A_476 = arith.minsi %add3A_475, %min3A : i32
      %mul3A_477 = arith.constant 16 : i32
      %mul3A_478 = arith.muli %min3A_476, %mul3A_477 : i32
      %get3A_479 = arith.index_cast %mul3A_478 : i32 to index
      %get3A_480 = tpu.vector_load %arg7[%get3A_479] {strides = array<i32>} : memref<512xi32, #tpu.memory_space<vmem>>, vector<16xi32>,
      %mul3A_481 = arith.constant 16 : i32
      %mul3A_482 = arith.muli %scan3A_324, %mul3A_481 : i32
      %add3A_483 = arith.constant 0 : i32
      %add3A_484 = arith.addi %mul3A_482, %add3A_483 : i32
      %dma_wait3A = arith.constant 0 : i32
      %dma_wait3A_485 = arith.constant 0 : i32
      %dma_wait3A_486 = arith.constant 0 : i32
      %dma_wait3A_487 = tpu.memref_slice %arg10[%dma_wait3A, %dma_wait3A_485, %dma_wait3A_486] : memref<16x16x128xf32, #tpu.memory_space<vmem>> -> memref<1x16x128xf32, #tpu.memory_space<vmem>>
      %dma_wait3A_488 = tpu.memref_squeeze %dma_wait3A_487 : memref<1x16x128xf32, #tpu.memory_space<vmem>> -> memref<16x128xf32, #tpu.memory_space<vmem>>
      %dma_wait3A_489 = arith.constant 0 : i32
      %dma_wait3A_490 = arith.constant 0 : i32
      %dma_wait3A_491 = tpu.memref_slice %arg4[%dma_wait3A_489, %dma_wait3A_490] : memref<16x1000000xf32, #tpu.memory_space<hbm>> -> memref<16x128xf32, #tpu.memory_space<hbm>>
      %dma_wait3A_492 = arith.constant 0 : i32
      %dma_wait3A_493 = arith.constant 0 : i32
      %dma_wait3A_494 = tpu.memref_slice %arg10[%dma_wait3A, %dma_wait3A_492, %dma_wait3A_493] : memref<16x16x128xf32, #tpu.memory_space<vmem>> -> memref<1x16x128xf32, #tpu.memory_space<vmem>>
      %dma_wait3A_495 = tpu.memref_squeeze %dma_wait3A_494 : memref<1x16x128xf32, #tpu.memory_space<vmem>> -> memref<16x128xf32, #tpu.memory_space<vmem>>
      %dma_wait3A_496 = arith.constant 0 : i32
      %dma_wait3A_497 = arith.constant 0 : i32
      %dma_wait3A_498 = tpu.memref_slice %arg4[%dma_wait3A_496, %dma_wait3A_497] : memref<16x1000000xf32, #tpu.memory_space<hbm>> -> memref<16x128xf32, #tpu.memory_space<hbm>>
      tpu.wait_dma2 semaphore(%arg12 : memref<!tpu.dma_semaphore, #tpu.memory_space<semaphore_mem>>) src(%dma_wait3A_498 : memref<16x128xf32, #tpu.memory_space<hbm>>) dst(%dma_wait3A_495 : memref<16x128xf32, #tpu.memory_space<vmem>>)
      %slice3A_499 = vector.extract_strided_slice %get3A_473 {offsets = [0], sizes = [1], strides = [1]} : vector<16xi32> to vector<1xi32>
      %squeeze3A_500 = vector.extract %slice3A_499[0] : i32 from vector<1xi32>
      %and3A = arith.constant 127 : i32
      %and3A_501 = arith.andi %squeeze3A_500, %and3A : i32
      %broadcast_in_dim3A_502 = vector.broadcast %and3A_501 : i32 to vector<16xi32>
      %gather3A_503 = arith.constant 0 : i32
      %gather3A_504 = arith.constant 0 : i32
      %gather3A_505 = arith.constant 0 : i32
      %gather3A_506 = tpu.memref_slice %arg10[%gather3A_503, %gather3A_504, %gather3A_505] : memref<16x16x128xf32, #tpu.memory_space<vmem>> -> memref<1x16x128xf32, #tpu.memory_space<vmem>>
      %gather3A_507 = tpu.memref_squeeze %gather3A_506 : memref<1x16x128xf32, #tpu.memory_space<vmem>> -> memref<16x128xf32, #tpu.memory_space<vmem>>
      %gather3A_508 = tpu.vector_load_idx %gather3A_507[%iota3A, %broadcast_in_dim3A_502] : memref<16x128xf32, #tpu.memory_space<vmem>>[vector<16xi32>, vector<16xi32>], vector<16xf32>,
      %broadcast_in_dim3A_509 = arith.constant 0 : i32
      %broadcast_in_dim3A_510 = vector.broadcast %broadcast_in_dim3A_509 : i32 to vector<16xi32>
      %add3A_511 = vector.broadcast %add3A_484 : i32 to vector<16xi32>
      %add3A_512 = arith.addi %broadcast_in_dim3A_510, %add3A_511 : vector<16xi32>
      tpu.vector_store_idx %arg11[%iota3A, %add3A_512], %gather3A_508 : memref<32x512xf32, #tpu.memory_space<vmem>>[vector<16xi32>, vector<16xi32>], vector<16xf32>,
      %add3A_513 = arith.constant 1 : i32
      %add3A_514 = arith.addi %scan3A_324, %add3A_513 : i32
      %lt3A = arith.constant 32 : i32
      %lt3A_515 = arith.cmpi slt, %add3A_514, %lt3A : i32
      %convert_element_type3A = arith.extui %lt3A_515 : i1 to i32
      %cond3A = arith.constant 0 : i32
      %cond3A_516 = arith.cmpi ne, %convert_element_type3A, %cond3A : i32
      scf.if %cond3A_516 {
        %slice3A_1132 = vector.extract_strided_slice %get3A_480 {offsets = [0], sizes = [1], strides = [1]} : vector<16xi32> to vector<1xi32>
        %squeeze3A_1133 = vector.extract %slice3A_1132[0] : i32 from vector<1xi32>
        %shift_right_arithmetic3A_1134 = arith.constant 7 : i32
        %shift_right_arithmetic3A_1135 = arith.shrsi %squeeze3A_1133, %shift_right_arithmetic3A_1134 : i32
        %mul3A_1136 = arith.constant 128 : i32
        %mul3A_1137 = arith.muli %shift_right_arithmetic3A_1135, %mul3A_1136 : i32
        %multiple_of3A_1138 = tpu.assume_multiple %mul3A_1137, 128 : i32
        %dma_start3A_1139 = arith.constant 0 : i32
        %dma_start3A_1140 = arith.constant 0 : i32
        %dma_start3A_1141 = arith.constant 0 : i32
        %dma_start3A_1142 = tpu.memref_slice %arg10[%dma_start3A_1139, %dma_start3A_1140, %dma_start3A_1141] : memref<16x16x128xf32, #tpu.memory_space<vmem>> -> memref<1x16x128xf32, #tpu.memory_space<vmem>>
        %dma_start3A_1143 = tpu.memref_squeeze %dma_start3A_1142 : memref<1x16x128xf32, #tpu.memory_space<vmem>> -> memref<16x128xf32, #tpu.memory_space<vmem>>
        %dma_start3A_1144 = arith.constant 0 : i32
        %dma_start3A_1145 = tpu.memref_slice %arg4[%dma_start3A_1144, %multiple_of3A_1138] : memref<16x1000000xf32, #tpu.memory_space<hbm>> -> memref<16x128xf32, #tpu.memory_space<hbm>>
        %dma_start3A_1146 = arith.constant 0 : i32
        %dma_start3A_1147 = arith.constant 0 : i32
        %dma_start3A_1148 = tpu.memref_slice %arg10[%dma_start3A_1139, %dma_start3A_1146, %dma_start3A_1147] : memref<16x16x128xf32, #tpu.memory_space<vmem>> -> memref<1x16x128xf32, #tpu.memory_space<vmem>>
        %dma_start3A_1149 = tpu.memref_squeeze %dma_start3A_1148 : memref<1x16x128xf32, #tpu.memory_space<vmem>> -> memref<16x128xf32, #tpu.memory_space<vmem>>
        %dma_start3A_1150 = arith.constant 0 : i32
        %dma_start3A_1151 = tpu.memref_slice %arg4[%dma_start3A_1150, %multiple_of3A_1138] : memref<16x1000000xf32, #tpu.memory_space<hbm>> -> memref<16x128xf32, #tpu.memory_space<hbm>>
        tpu.enqueue_dma source(%dma_start3A_1151 : memref<16x128xf32, #tpu.memory_space<hbm>>) target(%dma_start3A_1149 : memref<16x128xf32, #tpu.memory_space<vmem>>) target_semaphore(%arg12 : memref<!tpu.dma_semaphore, #tpu.memory_space<semaphore_mem>>)
      } else {
      }
      %mul3A_517 = arith.constant 16 : i32
      %mul3A_518 = arith.muli %scan3A_324, %mul3A_517 : i32
      %add3A_519 = arith.constant 1 : i32
      %add3A_520 = arith.addi %mul3A_518, %add3A_519 : i32
      %dma_wait3A_521 = arith.constant 1 : i32
      %dma_wait3A_522 = arith.constant 0 : i32
      %dma_wait3A_523 = arith.constant 0 : i32
      %dma_wait3A_524 = tpu.memref_slice %arg10[%dma_wait3A_521, %dma_wait3A_522, %dma_wait3A_523] : memref<16x16x128xf32, #tpu.memory_space<vmem>> -> memref<1x16x128xf32, #tpu.memory_space<vmem>>
      %dma_wait3A_525 = tpu.memref_squeeze %dma_wait3A_524 : memref<1x16x128xf32, #tpu.memory_space<vmem>> -> memref<16x128xf32, #tpu.memory_space<vmem>>
      %dma_wait3A_526 = arith.constant 0 : i32
      %dma_wait3A_527 = arith.constant 0 : i32
      %dma_wait3A_528 = tpu.memref_slice %arg4[%dma_wait3A_526, %dma_wait3A_527] : memref<16x1000000xf32, #tpu.memory_space<hbm>> -> memref<16x128xf32, #tpu.memory_space<hbm>>
      %dma_wait3A_529 = arith.constant 0 : i32
      %dma_wait3A_530 = arith.constant 0 : i32
      %dma_wait3A_531 = tpu.memref_slice %arg10[%dma_wait3A_521, %dma_wait3A_529, %dma_wait3A_530] : memref<16x16x128xf32, #tpu.memory_space<vmem>> -> memref<1x16x128xf32, #tpu.memory_space<vmem>>
      %dma_wait3A_532 = tpu.memref_squeeze %dma_wait3A_531 : memref<1x16x128xf32, #tpu.memory_space<vmem>> -> memref<16x128xf32, #tpu.memory_space<vmem>>
      %dma_wait3A_533 = arith.constant 0 : i32
      %dma_wait3A_534 = arith.constant 0 : i32
      %dma_wait3A_535 = tpu.memref_slice %arg4[%dma_wait3A_533, %dma_wait3A_534] : memref<16x1000000xf32, #tpu.memory_space<hbm>> -> memref<16x128xf32, #tpu.memory_space<hbm>>
      tpu.wait_dma2 semaphore(%arg13 : memref<!tpu.dma_semaphore, #tpu.memory_space<semaphore_mem>>) src(%dma_wait3A_535 : memref<16x128xf32, #tpu.memory_space<hbm>>) dst(%dma_wait3A_532 : memref<16x128xf32, #tpu.memory_space<vmem>>)
      %slice3A_536 = vector.extract_strided_slice %get3A_473 {offsets = [1], sizes = [1], strides = [1]} : vector<16xi32> to vector<1xi32>
      %squeeze3A_537 = vector.extract %slice3A_536[0] : i32 from vector<1xi32>
      %and3A_538 = arith.constant 127 : i32
      %and3A_539 = arith.andi %squeeze3A_537, %and3A_538 : i32
      %broadcast_in_dim3A_540 = vector.broadcast %and3A_539 : i32 to vector<16xi32>
      %gather3A_541 = arith.constant 1 : i32
      %gather3A_542 = arith.constant 0 : i32
      %gather3A_543 = arith.constant 0 : i32
      %gather3A_544 = tpu.memref_slice %arg10[%gather3A_541, %gather3A_542, %gather3A_543] : memref<16x16x128xf32, #tpu.memory_space<vmem>> -> memref<1x16x128xf32, #tpu.memory_space<vmem>>
      %gather3A_545 = tpu.memref_squeeze %gather3A_544 : memref<1x16x128xf32, #tpu.memory_space<vmem>> -> memref<16x128xf32, #tpu.memory_space<vmem>>
      %gather3A_546 = tpu.vector_load_idx %gather3A_545[%iota3A, %broadcast_in_dim3A_540] : memref<16x128xf32, #tpu.memory_space<vmem>>[vector<16xi32>, vector<16xi32>], vector<16xf32>,
      %broadcast_in_dim3A_547 = arith.constant 0 : i32
      %broadcast_in_dim3A_548 = vector.broadcast %broadcast_in_dim3A_547 : i32 to vector<16xi32>
      %add3A_549 = vector.broadcast %add3A_520 : i32 to vector<16xi32>
      %add3A_550 = arith.addi %broadcast_in_dim3A_548, %add3A_549 : vector<16xi32>
      tpu.vector_store_idx %arg11[%iota3A, %add3A_550], %gather3A_546 : memref<32x512xf32, #tpu.memory_space<vmem>>[vector<16xi32>, vector<16xi32>], vector<16xf32>,
      %add3A_551 = arith.constant 1 : i32
      %add3A_552 = arith.addi %scan3A_324, %add3A_551 : i32
      %lt3A_553 = arith.constant 32 : i32
      %lt3A_554 = arith.cmpi slt, %add3A_552, %lt3A_553 : i32
      %convert_element_type3A_555 = arith.extui %lt3A_554 : i1 to i32
      %cond3A_556 = arith.constant 0 : i32
      %cond3A_557 = arith.cmpi ne, %convert_element_type3A_555, %cond3A_556 : i32
      scf.if %cond3A_557 {
        %slice3A_1132 = vector.extract_strided_slice %get3A_480 {offsets = [1], sizes = [1], strides = [1]} : vector<16xi32> to vector<1xi32>
        %squeeze3A_1133 = vector.extract %slice3A_1132[0] : i32 from vector<1xi32>
        %shift_right_arithmetic3A_1134 = arith.constant 7 : i32
        %shift_right_arithmetic3A_1135 = arith.shrsi %squeeze3A_1133, %shift_right_arithmetic3A_1134 : i32
        %mul3A_1136 = arith.constant 128 : i32
        %mul3A_1137 = arith.muli %shift_right_arithmetic3A_1135, %mul3A_1136 : i32
        %multiple_of3A_1138 = tpu.assume_multiple %mul3A_1137, 128 : i32
        %dma_start3A_1139 = arith.constant 1 : i32
        %dma_start3A_1140 = arith.constant 0 : i32
        %dma_start3A_1141 = arith.constant 0 : i32
        %dma_start3A_1142 = tpu.memref_slice %arg10[%dma_start3A_1139, %dma_start3A_1140, %dma_start3A_1141] : memref<16x16x128xf32, #tpu.memory_space<vmem>> -> memref<1x16x128xf32, #tpu.memory_space<vmem>>
        %dma_start3A_1143 = tpu.memref_squeeze %dma_start3A_1142 : memref<1x16x128xf32, #tpu.memory_space<vmem>> -> memref<16x128xf32, #tpu.memory_space<vmem>>
        %dma_start3A_1144 = arith.constant 0 : i32
        %dma_start3A_1145 = tpu.memref_slice %arg4[%dma_start3A_1144, %multiple_of3A_1138] : memref<16x1000000xf32, #tpu.memory_space<hbm>> -> memref<16x128xf32, #tpu.memory_space<hbm>>
        %dma_start3A_1146 = arith.constant 0 : i32
        %dma_start3A_1147 = arith.constant 0 : i32
        %dma_start3A_1148 = tpu.memref_slice %arg10[%dma_start3A_1139, %dma_start3A_1146, %dma_start3A_1147] : memref<16x16x128xf32, #tpu.memory_space<vmem>> -> memref<1x16x128xf32, #tpu.memory_space<vmem>>
        %dma_start3A_1149 = tpu.memref_squeeze %dma_start3A_1148 : memref<1x16x128xf32, #tpu.memory_space<vmem>> -> memref<16x128xf32, #tpu.memory_space<vmem>>
        %dma_start3A_1150 = arith.constant 0 : i32
        %dma_start3A_1151 = tpu.memref_slice %arg4[%dma_start3A_1150, %multiple_of3A_1138] : memref<16x1000000xf32, #tpu.memory_space<hbm>> -> memref<16x128xf32, #tpu.memory_space<hbm>>
        tpu.enqueue_dma source(%dma_start3A_1151 : memref<16x128xf32, #tpu.memory_space<hbm>>) target(%dma_start3A_1149 : memref<16x128xf32, #tpu.memory_space<vmem>>) target_semaphore(%arg13 : memref<!tpu.dma_semaphore, #tpu.memory_space<semaphore_mem>>)
      } else {
      }
      %mul3A_558 = arith.constant 16 : i32
      %mul3A_559 = arith.muli %scan3A_324, %mul3A_558 : i32
      %add3A_560 = arith.constant 2 : i32
      %add3A_561 = arith.addi %mul3A_559, %add3A_560 : i32
      %dma_wait3A_562 = arith.constant 2 : i32
      %dma_wait3A_563 = arith.constant 0 : i32
      %dma_wait3A_564 = arith.constant 0 : i32
      %dma_wait3A_565 = tpu.memref_slice %arg10[%dma_wait3A_562, %dma_wait3A_563, %dma_wait3A_564] : memref<16x16x128xf32, #tpu.memory_space<vmem>> -> memref<1x16x128xf32, #tpu.memory_space<vmem>>
      %dma_wait3A_566 = tpu.memref_squeeze %dma_wait3A_565 : memref<1x16x128xf32, #tpu.memory_space<vmem>> -> memref<16x128xf32, #tpu.memory_space<vmem>>
      %dma_wait3A_567 = arith.constant 0 : i32
      %dma_wait3A_568 = arith.constant 0 : i32
      %dma_wait3A_569 = tpu.memref_slice %arg4[%dma_wait3A_567, %dma_wait3A_568] : memref<16x1000000xf32, #tpu.memory_space<hbm>> -> memref<16x128xf32, #tpu.memory_space<hbm>>
      %dma_wait3A_570 = arith.constant 0 : i32
      %dma_wait3A_571 = arith.constant 0 : i32
      %dma_wait3A_572 = tpu.memref_slice %arg10[%dma_wait3A_562, %dma_wait3A_570, %dma_wait3A_571] : memref<16x16x128xf32, #tpu.memory_space<vmem>> -> memref<1x16x128xf32, #tpu.memory_space<vmem>>
      %dma_wait3A_573 = tpu.memref_squeeze %dma_wait3A_572 : memref<1x16x128xf32, #tpu.memory_space<vmem>> -> memref<16x128xf32, #tpu.memory_space<vmem>>
      %dma_wait3A_574 = arith.constant 0 : i32
      %dma_wait3A_575 = arith.constant 0 : i32
      %dma_wait3A_576 = tpu.memref_slice %arg4[%dma_wait3A_574, %dma_wait3A_575] : memref<16x1000000xf32, #tpu.memory_space<hbm>> -> memref<16x128xf32, #tpu.memory_space<hbm>>
      tpu.wait_dma2 semaphore(%arg14 : memref<!tpu.dma_semaphore, #tpu.memory_space<semaphore_mem>>) src(%dma_wait3A_576 : memref<16x128xf32, #tpu.memory_space<hbm>>) dst(%dma_wait3A_573 : memref<16x128xf32, #tpu.memory_space<vmem>>)
      %slice3A_577 = vector.extract_strided_slice %get3A_473 {offsets = [2], sizes = [1], strides = [1]} : vector<16xi32> to vector<1xi32>
      %squeeze3A_578 = vector.extract %slice3A_577[0] : i32 from vector<1xi32>
      %and3A_579 = arith.constant 127 : i32
      %and3A_580 = arith.andi %squeeze3A_578, %and3A_579 : i32
      %broadcast_in_dim3A_581 = vector.broadcast %and3A_580 : i32 to vector<16xi32>
      %gather3A_582 = arith.constant 2 : i32
      %gather3A_583 = arith.constant 0 : i32
      %gather3A_584 = arith.constant 0 : i32
      %gather3A_585 = tpu.memref_slice %arg10[%gather3A_582, %gather3A_583, %gather3A_584] : memref<16x16x128xf32, #tpu.memory_space<vmem>> -> memref<1x16x128xf32, #tpu.memory_space<vmem>>
      %gather3A_586 = tpu.memref_squeeze %gather3A_585 : memref<1x16x128xf32, #tpu.memory_space<vmem>> -> memref<16x128xf32, #tpu.memory_space<vmem>>
      %gather3A_587 = tpu.vector_load_idx %gather3A_586[%iota3A, %broadcast_in_dim3A_581] : memref<16x128xf32, #tpu.memory_space<vmem>>[vector<16xi32>, vector<16xi32>], vector<16xf32>,
      %broadcast_in_dim3A_588 = arith.constant 0 : i32
      %broadcast_in_dim3A_589 = vector.broadcast %broadcast_in_dim3A_588 : i32 to vector<16xi32>
      %add3A_590 = vector.broadcast %add3A_561 : i32 to vector<16xi32>
      %add3A_591 = arith.addi %broadcast_in_dim3A_589, %add3A_590 : vector<16xi32>
      tpu.vector_store_idx %arg11[%iota3A, %add3A_591], %gather3A_587 : memref<32x512xf32, #tpu.memory_space<vmem>>[vector<16xi32>, vector<16xi32>], vector<16xf32>,
      %add3A_592 = arith.constant 1 : i32
      %add3A_593 = arith.addi %scan3A_324, %add3A_592 : i32
      %lt3A_594 = arith.constant 32 : i32
      %lt3A_595 = arith.cmpi slt, %add3A_593, %lt3A_594 : i32
      %convert_element_type3A_596 = arith.extui %lt3A_595 : i1 to i32
      %cond3A_597 = arith.constant 0 : i32
      %cond3A_598 = arith.cmpi ne, %convert_element_type3A_596, %cond3A_597 : i32
      scf.if %cond3A_598 {
        %slice3A_1132 = vector.extract_strided_slice %get3A_480 {offsets = [2], sizes = [1], strides = [1]} : vector<16xi32> to vector<1xi32>
        %squeeze3A_1133 = vector.extract %slice3A_1132[0] : i32 from vector<1xi32>
        %shift_right_arithmetic3A_1134 = arith.constant 7 : i32
        %shift_right_arithmetic3A_1135 = arith.shrsi %squeeze3A_1133, %shift_right_arithmetic3A_1134 : i32
        %mul3A_1136 = arith.constant 128 : i32
        %mul3A_1137 = arith.muli %shift_right_arithmetic3A_1135, %mul3A_1136 : i32
        %multiple_of3A_1138 = tpu.assume_multiple %mul3A_1137, 128 : i32
        %dma_start3A_1139 = arith.constant 2 : i32
        %dma_start3A_1140 = arith.constant 0 : i32
        %dma_start3A_1141 = arith.constant 0 : i32
        %dma_start3A_1142 = tpu.memref_slice %arg10[%dma_start3A_1139, %dma_start3A_1140, %dma_start3A_1141] : memref<16x16x128xf32, #tpu.memory_space<vmem>> -> memref<1x16x128xf32, #tpu.memory_space<vmem>>
        %dma_start3A_1143 = tpu.memref_squeeze %dma_start3A_1142 : memref<1x16x128xf32, #tpu.memory_space<vmem>> -> memref<16x128xf32, #tpu.memory_space<vmem>>
        %dma_start3A_1144 = arith.constant 0 : i32
        %dma_start3A_1145 = tpu.memref_slice %arg4[%dma_start3A_1144, %multiple_of3A_1138] : memref<16x1000000xf32, #tpu.memory_space<hbm>> -> memref<16x128xf32, #tpu.memory_space<hbm>>
        %dma_start3A_1146 = arith.constant 0 : i32
        %dma_start3A_1147 = arith.constant 0 : i32
        %dma_start3A_1148 = tpu.memref_slice %arg10[%dma_start3A_1139, %dma_start3A_1146, %dma_start3A_1147] : memref<16x16x128xf32, #tpu.memory_space<vmem>> -> memref<1x16x128xf32, #tpu.memory_space<vmem>>
        %dma_start3A_1149 = tpu.memref_squeeze %dma_start3A_1148 : memref<1x16x128xf32, #tpu.memory_space<vmem>> -> memref<16x128xf32, #tpu.memory_space<vmem>>
        %dma_start3A_1150 = arith.constant 0 : i32
        %dma_start3A_1151 = tpu.memref_slice %arg4[%dma_start3A_1150, %multiple_of3A_1138] : memref<16x1000000xf32, #tpu.memory_space<hbm>> -> memref<16x128xf32, #tpu.memory_space<hbm>>
        tpu.enqueue_dma source(%dma_start3A_1151 : memref<16x128xf32, #tpu.memory_space<hbm>>) target(%dma_start3A_1149 : memref<16x128xf32, #tpu.memory_space<vmem>>) target_semaphore(%arg14 : memref<!tpu.dma_semaphore, #tpu.memory_space<semaphore_mem>>)
      } else {
      }
      %mul3A_599 = arith.constant 16 : i32
      %mul3A_600 = arith.muli %scan3A_324, %mul3A_599 : i32
      %add3A_601 = arith.constant 3 : i32
      %add3A_602 = arith.addi %mul3A_600, %add3A_601 : i32
      %dma_wait3A_603 = arith.constant 3 : i32
      %dma_wait3A_604 = arith.constant 0 : i32
      %dma_wait3A_605 = arith.constant 0 : i32
      %dma_wait3A_606 = tpu.memref_slice %arg10[%dma_wait3A_603, %dma_wait3A_604, %dma_wait3A_605] : memref<16x16x128xf32, #tpu.memory_space<vmem>> -> memref<1x16x128xf32, #tpu.memory_space<vmem>>
      %dma_wait3A_607 = tpu.memref_squeeze %dma_wait3A_606 : memref<1x16x128xf32, #tpu.memory_space<vmem>> -> memref<16x128xf32, #tpu.memory_space<vmem>>
      %dma_wait3A_608 = arith.constant 0 : i32
      %dma_wait3A_609 = arith.constant 0 : i32
      %dma_wait3A_610 = tpu.memref_slice %arg4[%dma_wait3A_608, %dma_wait3A_609] : memref<16x1000000xf32, #tpu.memory_space<hbm>> -> memref<16x128xf32, #tpu.memory_space<hbm>>
      %dma_wait3A_611 = arith.constant 0 : i32
      %dma_wait3A_612 = arith.constant 0 : i32
      %dma_wait3A_613 = tpu.memref_slice %arg10[%dma_wait3A_603, %dma_wait3A_611, %dma_wait3A_612] : memref<16x16x128xf32, #tpu.memory_space<vmem>> -> memref<1x16x128xf32, #tpu.memory_space<vmem>>
      %dma_wait3A_614 = tpu.memref_squeeze %dma_wait3A_613 : memref<1x16x128xf32, #tpu.memory_space<vmem>> -> memref<16x128xf32, #tpu.memory_space<vmem>>
      %dma_wait3A_615 = arith.constant 0 : i32
      %dma_wait3A_616 = arith.constant 0 : i32
      %dma_wait3A_617 = tpu.memref_slice %arg4[%dma_wait3A_615, %dma_wait3A_616] : memref<16x1000000xf32, #tpu.memory_space<hbm>> -> memref<16x128xf32, #tpu.memory_space<hbm>>
      tpu.wait_dma2 semaphore(%arg15 : memref<!tpu.dma_semaphore, #tpu.memory_space<semaphore_mem>>) src(%dma_wait3A_617 : memref<16x128xf32, #tpu.memory_space<hbm>>) dst(%dma_wait3A_614 : memref<16x128xf32, #tpu.memory_space<vmem>>)
      %slice3A_618 = vector.extract_strided_slice %get3A_473 {offsets = [3], sizes = [1], strides = [1]} : vector<16xi32> to vector<1xi32>
      %squeeze3A_619 = vector.extract %slice3A_618[0] : i32 from vector<1xi32>
      %and3A_620 = arith.constant 127 : i32
      %and3A_621 = arith.andi %squeeze3A_619, %and3A_620 : i32
      %broadcast_in_dim3A_622 = vector.broadcast %and3A_621 : i32 to vector<16xi32>
      %gather3A_623 = arith.constant 3 : i32
      %gather3A_624 = arith.constant 0 : i32
      %gather3A_625 = arith.constant 0 : i32
      %gather3A_626 = tpu.memref_slice %arg10[%gather3A_623, %gather3A_624, %gather3A_625] : memref<16x16x128xf32, #tpu.memory_space<vmem>> -> memref<1x16x128xf32, #tpu.memory_space<vmem>>
      %gather3A_627 = tpu.memref_squeeze %gather3A_626 : memref<1x16x128xf32, #tpu.memory_space<vmem>> -> memref<16x128xf32, #tpu.memory_space<vmem>>
      %gather3A_628 = tpu.vector_load_idx %gather3A_627[%iota3A, %broadcast_in_dim3A_622] : memref<16x128xf32, #tpu.memory_space<vmem>>[vector<16xi32>, vector<16xi32>], vector<16xf32>,
      %broadcast_in_dim3A_629 = arith.constant 0 : i32
      %broadcast_in_dim3A_630 = vector.broadcast %broadcast_in_dim3A_629 : i32 to vector<16xi32>
      %add3A_631 = vector.broadcast %add3A_602 : i32 to vector<16xi32>
      %add3A_632 = arith.addi %broadcast_in_dim3A_630, %add3A_631 : vector<16xi32>
      tpu.vector_store_idx %arg11[%iota3A, %add3A_632], %gather3A_628 : memref<32x512xf32, #tpu.memory_space<vmem>>[vector<16xi32>, vector<16xi32>], vector<16xf32>,
      %add3A_633 = arith.constant 1 : i32
      %add3A_634 = arith.addi %scan3A_324, %add3A_633 : i32
      %lt3A_635 = arith.constant 32 : i32
      %lt3A_636 = arith.cmpi slt, %add3A_634, %lt3A_635 : i32
      %convert_element_type3A_637 = arith.extui %lt3A_636 : i1 to i32
      %cond3A_638 = arith.constant 0 : i32
      %cond3A_639 = arith.cmpi ne, %convert_element_type3A_637, %cond3A_638 : i32
      scf.if %cond3A_639 {
        %slice3A_1132 = vector.extract_strided_slice %get3A_480 {offsets = [3], sizes = [1], strides = [1]} : vector<16xi32> to vector<1xi32>
        %squeeze3A_1133 = vector.extract %slice3A_1132[0] : i32 from vector<1xi32>
        %shift_right_arithmetic3A_1134 = arith.constant 7 : i32
        %shift_right_arithmetic3A_1135 = arith.shrsi %squeeze3A_1133, %shift_right_arithmetic3A_1134 : i32
        %mul3A_1136 = arith.constant 128 : i32
        %mul3A_1137 = arith.muli %shift_right_arithmetic3A_1135, %mul3A_1136 : i32
        %multiple_of3A_1138 = tpu.assume_multiple %mul3A_1137, 128 : i32
        %dma_start3A_1139 = arith.constant 3 : i32
        %dma_start3A_1140 = arith.constant 0 : i32
        %dma_start3A_1141 = arith.constant 0 : i32
        %dma_start3A_1142 = tpu.memref_slice %arg10[%dma_start3A_1139, %dma_start3A_1140, %dma_start3A_1141] : memref<16x16x128xf32, #tpu.memory_space<vmem>> -> memref<1x16x128xf32, #tpu.memory_space<vmem>>
        %dma_start3A_1143 = tpu.memref_squeeze %dma_start3A_1142 : memref<1x16x128xf32, #tpu.memory_space<vmem>> -> memref<16x128xf32, #tpu.memory_space<vmem>>
        %dma_start3A_1144 = arith.constant 0 : i32
        %dma_start3A_1145 = tpu.memref_slice %arg4[%dma_start3A_1144, %multiple_of3A_1138] : memref<16x1000000xf32, #tpu.memory_space<hbm>> -> memref<16x128xf32, #tpu.memory_space<hbm>>
        %dma_start3A_1146 = arith.constant 0 : i32
        %dma_start3A_1147 = arith.constant 0 : i32
        %dma_start3A_1148 = tpu.memref_slice %arg10[%dma_start3A_1139, %dma_start3A_1146, %dma_start3A_1147] : memref<16x16x128xf32, #tpu.memory_space<vmem>> -> memref<1x16x128xf32, #tpu.memory_space<vmem>>
        %dma_start3A_1149 = tpu.memref_squeeze %dma_start3A_1148 : memref<1x16x128xf32, #tpu.memory_space<vmem>> -> memref<16x128xf32, #tpu.memory_space<vmem>>
        %dma_start3A_1150 = arith.constant 0 : i32
        %dma_start3A_1151 = tpu.memref_slice %arg4[%dma_start3A_1150, %multiple_of3A_1138] : memref<16x1000000xf32, #tpu.memory_space<hbm>> -> memref<16x128xf32, #tpu.memory_space<hbm>>
        tpu.enqueue_dma source(%dma_start3A_1151 : memref<16x128xf32, #tpu.memory_space<hbm>>) target(%dma_start3A_1149 : memref<16x128xf32, #tpu.memory_space<vmem>>) target_semaphore(%arg15 : memref<!tpu.dma_semaphore, #tpu.memory_space<semaphore_mem>>)
      } else {
      }
      %mul3A_640 = arith.constant 16 : i32
      %mul3A_641 = arith.muli %scan3A_324, %mul3A_640 : i32
      %add3A_642 = arith.constant 4 : i32
      %add3A_643 = arith.addi %mul3A_641, %add3A_642 : i32
      %dma_wait3A_644 = arith.constant 4 : i32
      %dma_wait3A_645 = arith.constant 0 : i32
      %dma_wait3A_646 = arith.constant 0 : i32
      %dma_wait3A_647 = tpu.memref_slice %arg10[%dma_wait3A_644, %dma_wait3A_645, %dma_wait3A_646] : memref<16x16x128xf32, #tpu.memory_space<vmem>> -> memref<1x16x128xf32, #tpu.memory_space<vmem>>
      %dma_wait3A_648 = tpu.memref_squeeze %dma_wait3A_647 : memref<1x16x128xf32, #tpu.memory_space<vmem>> -> memref<16x128xf32, #tpu.memory_space<vmem>>
      %dma_wait3A_649 = arith.constant 0 : i32
      %dma_wait3A_650 = arith.constant 0 : i32
      %dma_wait3A_651 = tpu.memref_slice %arg4[%dma_wait3A_649, %dma_wait3A_650] : memref<16x1000000xf32, #tpu.memory_space<hbm>> -> memref<16x128xf32, #tpu.memory_space<hbm>>
      %dma_wait3A_652 = arith.constant 0 : i32
      %dma_wait3A_653 = arith.constant 0 : i32
      %dma_wait3A_654 = tpu.memref_slice %arg10[%dma_wait3A_644, %dma_wait3A_652, %dma_wait3A_653] : memref<16x16x128xf32, #tpu.memory_space<vmem>> -> memref<1x16x128xf32, #tpu.memory_space<vmem>>
      %dma_wait3A_655 = tpu.memref_squeeze %dma_wait3A_654 : memref<1x16x128xf32, #tpu.memory_space<vmem>> -> memref<16x128xf32, #tpu.memory_space<vmem>>
      %dma_wait3A_656 = arith.constant 0 : i32
      %dma_wait3A_657 = arith.constant 0 : i32
      %dma_wait3A_658 = tpu.memref_slice %arg4[%dma_wait3A_656, %dma_wait3A_657] : memref<16x1000000xf32, #tpu.memory_space<hbm>> -> memref<16x128xf32, #tpu.memory_space<hbm>>
      tpu.wait_dma2 semaphore(%arg16 : memref<!tpu.dma_semaphore, #tpu.memory_space<semaphore_mem>>) src(%dma_wait3A_658 : memref<16x128xf32, #tpu.memory_space<hbm>>) dst(%dma_wait3A_655 : memref<16x128xf32, #tpu.memory_space<vmem>>)
      %slice3A_659 = vector.extract_strided_slice %get3A_473 {offsets = [4], sizes = [1], strides = [1]} : vector<16xi32> to vector<1xi32>
      %squeeze3A_660 = vector.extract %slice3A_659[0] : i32 from vector<1xi32>
      %and3A_661 = arith.constant 127 : i32
      %and3A_662 = arith.andi %squeeze3A_660, %and3A_661 : i32
      %broadcast_in_dim3A_663 = vector.broadcast %and3A_662 : i32 to vector<16xi32>
      %gather3A_664 = arith.constant 4 : i32
      %gather3A_665 = arith.constant 0 : i32
      %gather3A_666 = arith.constant 0 : i32
      %gather3A_667 = tpu.memref_slice %arg10[%gather3A_664, %gather3A_665, %gather3A_666] : memref<16x16x128xf32, #tpu.memory_space<vmem>> -> memref<1x16x128xf32, #tpu.memory_space<vmem>>
      %gather3A_668 = tpu.memref_squeeze %gather3A_667 : memref<1x16x128xf32, #tpu.memory_space<vmem>> -> memref<16x128xf32, #tpu.memory_space<vmem>>
      %gather3A_669 = tpu.vector_load_idx %gather3A_668[%iota3A, %broadcast_in_dim3A_663] : memref<16x128xf32, #tpu.memory_space<vmem>>[vector<16xi32>, vector<16xi32>], vector<16xf32>,
      %broadcast_in_dim3A_670 = arith.constant 0 : i32
      %broadcast_in_dim3A_671 = vector.broadcast %broadcast_in_dim3A_670 : i32 to vector<16xi32>
      %add3A_672 = vector.broadcast %add3A_643 : i32 to vector<16xi32>
      %add3A_673 = arith.addi %broadcast_in_dim3A_671, %add3A_672 : vector<16xi32>
      tpu.vector_store_idx %arg11[%iota3A, %add3A_673], %gather3A_669 : memref<32x512xf32, #tpu.memory_space<vmem>>[vector<16xi32>, vector<16xi32>], vector<16xf32>,
      %add3A_674 = arith.constant 1 : i32
      %add3A_675 = arith.addi %scan3A_324, %add3A_674 : i32
      %lt3A_676 = arith.constant 32 : i32
      %lt3A_677 = arith.cmpi slt, %add3A_675, %lt3A_676 : i32
      %convert_element_type3A_678 = arith.extui %lt3A_677 : i1 to i32
      %cond3A_679 = arith.constant 0 : i32
      %cond3A_680 = arith.cmpi ne, %convert_element_type3A_678, %cond3A_679 : i32
      scf.if %cond3A_680 {
        %slice3A_1132 = vector.extract_strided_slice %get3A_480 {offsets = [4], sizes = [1], strides = [1]} : vector<16xi32> to vector<1xi32>
        %squeeze3A_1133 = vector.extract %slice3A_1132[0] : i32 from vector<1xi32>
        %shift_right_arithmetic3A_1134 = arith.constant 7 : i32
        %shift_right_arithmetic3A_1135 = arith.shrsi %squeeze3A_1133, %shift_right_arithmetic3A_1134 : i32
        %mul3A_1136 = arith.constant 128 : i32
        %mul3A_1137 = arith.muli %shift_right_arithmetic3A_1135, %mul3A_1136 : i32
        %multiple_of3A_1138 = tpu.assume_multiple %mul3A_1137, 128 : i32
        %dma_start3A_1139 = arith.constant 4 : i32
        %dma_start3A_1140 = arith.constant 0 : i32
        %dma_start3A_1141 = arith.constant 0 : i32
        %dma_start3A_1142 = tpu.memref_slice %arg10[%dma_start3A_1139, %dma_start3A_1140, %dma_start3A_1141] : memref<16x16x128xf32, #tpu.memory_space<vmem>> -> memref<1x16x128xf32, #tpu.memory_space<vmem>>
        %dma_start3A_1143 = tpu.memref_squeeze %dma_start3A_1142 : memref<1x16x128xf32, #tpu.memory_space<vmem>> -> memref<16x128xf32, #tpu.memory_space<vmem>>
        %dma_start3A_1144 = arith.constant 0 : i32
        %dma_start3A_1145 = tpu.memref_slice %arg4[%dma_start3A_1144, %multiple_of3A_1138] : memref<16x1000000xf32, #tpu.memory_space<hbm>> -> memref<16x128xf32, #tpu.memory_space<hbm>>
        %dma_start3A_1146 = arith.constant 0 : i32
        %dma_start3A_1147 = arith.constant 0 : i32
        %dma_start3A_1148 = tpu.memref_slice %arg10[%dma_start3A_1139, %dma_start3A_1146, %dma_start3A_1147] : memref<16x16x128xf32, #tpu.memory_space<vmem>> -> memref<1x16x128xf32, #tpu.memory_space<vmem>>
        %dma_start3A_1149 = tpu.memref_squeeze %dma_start3A_1148 : memref<1x16x128xf32, #tpu.memory_space<vmem>> -> memref<16x128xf32, #tpu.memory_space<vmem>>
        %dma_start3A_1150 = arith.constant 0 : i32
        %dma_start3A_1151 = tpu.memref_slice %arg4[%dma_start3A_1150, %multiple_of3A_1138] : memref<16x1000000xf32, #tpu.memory_space<hbm>> -> memref<16x128xf32, #tpu.memory_space<hbm>>
        tpu.enqueue_dma source(%dma_start3A_1151 : memref<16x128xf32, #tpu.memory_space<hbm>>) target(%dma_start3A_1149 : memref<16x128xf32, #tpu.memory_space<vmem>>) target_semaphore(%arg16 : memref<!tpu.dma_semaphore, #tpu.memory_space<semaphore_mem>>)
      } else {
      }
      %mul3A_681 = arith.constant 16 : i32
      %mul3A_682 = arith.muli %scan3A_324, %mul3A_681 : i32
      %add3A_683 = arith.constant 5 : i32
      %add3A_684 = arith.addi %mul3A_682, %add3A_683 : i32
      %dma_wait3A_685 = arith.constant 5 : i32
      %dma_wait3A_686 = arith.constant 0 : i32
      %dma_wait3A_687 = arith.constant 0 : i32
      %dma_wait3A_688 = tpu.memref_slice %arg10[%dma_wait3A_685, %dma_wait3A_686, %dma_wait3A_687] : memref<16x16x128xf32, #tpu.memory_space<vmem>> -> memref<1x16x128xf32, #tpu.memory_space<vmem>>
      %dma_wait3A_689 = tpu.memref_squeeze %dma_wait3A_688 : memref<1x16x128xf32, #tpu.memory_space<vmem>> -> memref<16x128xf32, #tpu.memory_space<vmem>>
      %dma_wait3A_690 = arith.constant 0 : i32
      %dma_wait3A_691 = arith.constant 0 : i32
      %dma_wait3A_692 = tpu.memref_slice %arg4[%dma_wait3A_690, %dma_wait3A_691] : memref<16x1000000xf32, #tpu.memory_space<hbm>> -> memref<16x128xf32, #tpu.memory_space<hbm>>
      %dma_wait3A_693 = arith.constant 0 : i32
      %dma_wait3A_694 = arith.constant 0 : i32
      %dma_wait3A_695 = tpu.memref_slice %arg10[%dma_wait3A_685, %dma_wait3A_693, %dma_wait3A_694] : memref<16x16x128xf32, #tpu.memory_space<vmem>> -> memref<1x16x128xf32, #tpu.memory_space<vmem>>
      %dma_wait3A_696 = tpu.memref_squeeze %dma_wait3A_695 : memref<1x16x128xf32, #tpu.memory_space<vmem>> -> memref<16x128xf32, #tpu.memory_space<vmem>>
      %dma_wait3A_697 = arith.constant 0 : i32
      %dma_wait3A_698 = arith.constant 0 : i32
      %dma_wait3A_699 = tpu.memref_slice %arg4[%dma_wait3A_697, %dma_wait3A_698] : memref<16x1000000xf32, #tpu.memory_space<hbm>> -> memref<16x128xf32, #tpu.memory_space<hbm>>
      tpu.wait_dma2 semaphore(%arg17 : memref<!tpu.dma_semaphore, #tpu.memory_space<semaphore_mem>>) src(%dma_wait3A_699 : memref<16x128xf32, #tpu.memory_space<hbm>>) dst(%dma_wait3A_696 : memref<16x128xf32, #tpu.memory_space<vmem>>)
      %slice3A_700 = vector.extract_strided_slice %get3A_473 {offsets = [5], sizes = [1], strides = [1]} : vector<16xi32> to vector<1xi32>
      %squeeze3A_701 = vector.extract %slice3A_700[0] : i32 from vector<1xi32>
      %and3A_702 = arith.constant 127 : i32
      %and3A_703 = arith.andi %squeeze3A_701, %and3A_702 : i32
      %broadcast_in_dim3A_704 = vector.broadcast %and3A_703 : i32 to vector<16xi32>
      %gather3A_705 = arith.constant 5 : i32
      %gather3A_706 = arith.constant 0 : i32
      %gather3A_707 = arith.constant 0 : i32
      %gather3A_708 = tpu.memref_slice %arg10[%gather3A_705, %gather3A_706, %gather3A_707] : memref<16x16x128xf32, #tpu.memory_space<vmem>> -> memref<1x16x128xf32, #tpu.memory_space<vmem>>
      %gather3A_709 = tpu.memref_squeeze %gather3A_708 : memref<1x16x128xf32, #tpu.memory_space<vmem>> -> memref<16x128xf32, #tpu.memory_space<vmem>>
      %gather3A_710 = tpu.vector_load_idx %gather3A_709[%iota3A, %broadcast_in_dim3A_704] : memref<16x128xf32, #tpu.memory_space<vmem>>[vector<16xi32>, vector<16xi32>], vector<16xf32>,
      %broadcast_in_dim3A_711 = arith.constant 0 : i32
      %broadcast_in_dim3A_712 = vector.broadcast %broadcast_in_dim3A_711 : i32 to vector<16xi32>
      %add3A_713 = vector.broadcast %add3A_684 : i32 to vector<16xi32>
      %add3A_714 = arith.addi %broadcast_in_dim3A_712, %add3A_713 : vector<16xi32>
      tpu.vector_store_idx %arg11[%iota3A, %add3A_714], %gather3A_710 : memref<32x512xf32, #tpu.memory_space<vmem>>[vector<16xi32>, vector<16xi32>], vector<16xf32>,
      %add3A_715 = arith.constant 1 : i32
      %add3A_716 = arith.addi %scan3A_324, %add3A_715 : i32
      %lt3A_717 = arith.constant 32 : i32
      %lt3A_718 = arith.cmpi slt, %add3A_716, %lt3A_717 : i32
      %convert_element_type3A_719 = arith.extui %lt3A_718 : i1 to i32
      %cond3A_720 = arith.constant 0 : i32
      %cond3A_721 = arith.cmpi ne, %convert_element_type3A_719, %cond3A_720 : i32
      scf.if %cond3A_721 {
        %slice3A_1132 = vector.extract_strided_slice %get3A_480 {offsets = [5], sizes = [1], strides = [1]} : vector<16xi32> to vector<1xi32>
        %squeeze3A_1133 = vector.extract %slice3A_1132[0] : i32 from vector<1xi32>
        %shift_right_arithmetic3A_1134 = arith.constant 7 : i32
        %shift_right_arithmetic3A_1135 = arith.shrsi %squeeze3A_1133, %shift_right_arithmetic3A_1134 : i32
        %mul3A_1136 = arith.constant 128 : i32
        %mul3A_1137 = arith.muli %shift_right_arithmetic3A_1135, %mul3A_1136 : i32
        %multiple_of3A_1138 = tpu.assume_multiple %mul3A_1137, 128 : i32
        %dma_start3A_1139 = arith.constant 5 : i32
        %dma_start3A_1140 = arith.constant 0 : i32
        %dma_start3A_1141 = arith.constant 0 : i32
        %dma_start3A_1142 = tpu.memref_slice %arg10[%dma_start3A_1139, %dma_start3A_1140, %dma_start3A_1141] : memref<16x16x128xf32, #tpu.memory_space<vmem>> -> memref<1x16x128xf32, #tpu.memory_space<vmem>>
        %dma_start3A_1143 = tpu.memref_squeeze %dma_start3A_1142 : memref<1x16x128xf32, #tpu.memory_space<vmem>> -> memref<16x128xf32, #tpu.memory_space<vmem>>
        %dma_start3A_1144 = arith.constant 0 : i32
        %dma_start3A_1145 = tpu.memref_slice %arg4[%dma_start3A_1144, %multiple_of3A_1138] : memref<16x1000000xf32, #tpu.memory_space<hbm>> -> memref<16x128xf32, #tpu.memory_space<hbm>>
        %dma_start3A_1146 = arith.constant 0 : i32
        %dma_start3A_1147 = arith.constant 0 : i32
        %dma_start3A_1148 = tpu.memref_slice %arg10[%dma_start3A_1139, %dma_start3A_1146, %dma_start3A_1147] : memref<16x16x128xf32, #tpu.memory_space<vmem>> -> memref<1x16x128xf32, #tpu.memory_space<vmem>>
        %dma_start3A_1149 = tpu.memref_squeeze %dma_start3A_1148 : memref<1x16x128xf32, #tpu.memory_space<vmem>> -> memref<16x128xf32, #tpu.memory_space<vmem>>
        %dma_start3A_1150 = arith.constant 0 : i32
        %dma_start3A_1151 = tpu.memref_slice %arg4[%dma_start3A_1150, %multiple_of3A_1138] : memref<16x1000000xf32, #tpu.memory_space<hbm>> -> memref<16x128xf32, #tpu.memory_space<hbm>>
        tpu.enqueue_dma source(%dma_start3A_1151 : memref<16x128xf32, #tpu.memory_space<hbm>>) target(%dma_start3A_1149 : memref<16x128xf32, #tpu.memory_space<vmem>>) target_semaphore(%arg17 : memref<!tpu.dma_semaphore, #tpu.memory_space<semaphore_mem>>)
      } else {
      }
      %mul3A_722 = arith.constant 16 : i32
      %mul3A_723 = arith.muli %scan3A_324, %mul3A_722 : i32
      %add3A_724 = arith.constant 6 : i32
      %add3A_725 = arith.addi %mul3A_723, %add3A_724 : i32
      %dma_wait3A_726 = arith.constant 6 : i32
      %dma_wait3A_727 = arith.constant 0 : i32
      %dma_wait3A_728 = arith.constant 0 : i32
      %dma_wait3A_729 = tpu.memref_slice %arg10[%dma_wait3A_726, %dma_wait3A_727, %dma_wait3A_728] : memref<16x16x128xf32, #tpu.memory_space<vmem>> -> memref<1x16x128xf32, #tpu.memory_space<vmem>>
      %dma_wait3A_730 = tpu.memref_squeeze %dma_wait3A_729 : memref<1x16x128xf32, #tpu.memory_space<vmem>> -> memref<16x128xf32, #tpu.memory_space<vmem>>
      %dma_wait3A_731 = arith.constant 0 : i32
      %dma_wait3A_732 = arith.constant 0 : i32
      %dma_wait3A_733 = tpu.memref_slice %arg4[%dma_wait3A_731, %dma_wait3A_732] : memref<16x1000000xf32, #tpu.memory_space<hbm>> -> memref<16x128xf32, #tpu.memory_space<hbm>>
      %dma_wait3A_734 = arith.constant 0 : i32
      %dma_wait3A_735 = arith.constant 0 : i32
      %dma_wait3A_736 = tpu.memref_slice %arg10[%dma_wait3A_726, %dma_wait3A_734, %dma_wait3A_735] : memref<16x16x128xf32, #tpu.memory_space<vmem>> -> memref<1x16x128xf32, #tpu.memory_space<vmem>>
      %dma_wait3A_737 = tpu.memref_squeeze %dma_wait3A_736 : memref<1x16x128xf32, #tpu.memory_space<vmem>> -> memref<16x128xf32, #tpu.memory_space<vmem>>
      %dma_wait3A_738 = arith.constant 0 : i32
      %dma_wait3A_739 = arith.constant 0 : i32
      %dma_wait3A_740 = tpu.memref_slice %arg4[%dma_wait3A_738, %dma_wait3A_739] : memref<16x1000000xf32, #tpu.memory_space<hbm>> -> memref<16x128xf32, #tpu.memory_space<hbm>>
      tpu.wait_dma2 semaphore(%arg18 : memref<!tpu.dma_semaphore, #tpu.memory_space<semaphore_mem>>) src(%dma_wait3A_740 : memref<16x128xf32, #tpu.memory_space<hbm>>) dst(%dma_wait3A_737 : memref<16x128xf32, #tpu.memory_space<vmem>>)
      %slice3A_741 = vector.extract_strided_slice %get3A_473 {offsets = [6], sizes = [1], strides = [1]} : vector<16xi32> to vector<1xi32>
      %squeeze3A_742 = vector.extract %slice3A_741[0] : i32 from vector<1xi32>
      %and3A_743 = arith.constant 127 : i32
      %and3A_744 = arith.andi %squeeze3A_742, %and3A_743 : i32
      %broadcast_in_dim3A_745 = vector.broadcast %and3A_744 : i32 to vector<16xi32>
      %gather3A_746 = arith.constant 6 : i32
      %gather3A_747 = arith.constant 0 : i32
      %gather3A_748 = arith.constant 0 : i32
      %gather3A_749 = tpu.memref_slice %arg10[%gather3A_746, %gather3A_747, %gather3A_748] : memref<16x16x128xf32, #tpu.memory_space<vmem>> -> memref<1x16x128xf32, #tpu.memory_space<vmem>>
      %gather3A_750 = tpu.memref_squeeze %gather3A_749 : memref<1x16x128xf32, #tpu.memory_space<vmem>> -> memref<16x128xf32, #tpu.memory_space<vmem>>
      %gather3A_751 = tpu.vector_load_idx %gather3A_750[%iota3A, %broadcast_in_dim3A_745] : memref<16x128xf32, #tpu.memory_space<vmem>>[vector<16xi32>, vector<16xi32>], vector<16xf32>,
      %broadcast_in_dim3A_752 = arith.constant 0 : i32
      %broadcast_in_dim3A_753 = vector.broadcast %broadcast_in_dim3A_752 : i32 to vector<16xi32>
      %add3A_754 = vector.broadcast %add3A_725 : i32 to vector<16xi32>
      %add3A_755 = arith.addi %broadcast_in_dim3A_753, %add3A_754 : vector<16xi32>
      tpu.vector_store_idx %arg11[%iota3A, %add3A_755], %gather3A_751 : memref<32x512xf32, #tpu.memory_space<vmem>>[vector<16xi32>, vector<16xi32>], vector<16xf32>,
      %add3A_756 = arith.constant 1 : i32
      %add3A_757 = arith.addi %scan3A_324, %add3A_756 : i32
      %lt3A_758 = arith.constant 32 : i32
      %lt3A_759 = arith.cmpi slt, %add3A_757, %lt3A_758 : i32
      %convert_element_type3A_760 = arith.extui %lt3A_759 : i1 to i32
      %cond3A_761 = arith.constant 0 : i32
      %cond3A_762 = arith.cmpi ne, %convert_element_type3A_760, %cond3A_761 : i32
      scf.if %cond3A_762 {
        %slice3A_1132 = vector.extract_strided_slice %get3A_480 {offsets = [6], sizes = [1], strides = [1]} : vector<16xi32> to vector<1xi32>
        %squeeze3A_1133 = vector.extract %slice3A_1132[0] : i32 from vector<1xi32>
        %shift_right_arithmetic3A_1134 = arith.constant 7 : i32
        %shift_right_arithmetic3A_1135 = arith.shrsi %squeeze3A_1133, %shift_right_arithmetic3A_1134 : i32
        %mul3A_1136 = arith.constant 128 : i32
        %mul3A_1137 = arith.muli %shift_right_arithmetic3A_1135, %mul3A_1136 : i32
        %multiple_of3A_1138 = tpu.assume_multiple %mul3A_1137, 128 : i32
        %dma_start3A_1139 = arith.constant 6 : i32
        %dma_start3A_1140 = arith.constant 0 : i32
        %dma_start3A_1141 = arith.constant 0 : i32
        %dma_start3A_1142 = tpu.memref_slice %arg10[%dma_start3A_1139, %dma_start3A_1140, %dma_start3A_1141] : memref<16x16x128xf32, #tpu.memory_space<vmem>> -> memref<1x16x128xf32, #tpu.memory_space<vmem>>
        %dma_start3A_1143 = tpu.memref_squeeze %dma_start3A_1142 : memref<1x16x128xf32, #tpu.memory_space<vmem>> -> memref<16x128xf32, #tpu.memory_space<vmem>>
        %dma_start3A_1144 = arith.constant 0 : i32
        %dma_start3A_1145 = tpu.memref_slice %arg4[%dma_start3A_1144, %multiple_of3A_1138] : memref<16x1000000xf32, #tpu.memory_space<hbm>> -> memref<16x128xf32, #tpu.memory_space<hbm>>
        %dma_start3A_1146 = arith.constant 0 : i32
        %dma_start3A_1147 = arith.constant 0 : i32
        %dma_start3A_1148 = tpu.memref_slice %arg10[%dma_start3A_1139, %dma_start3A_1146, %dma_start3A_1147] : memref<16x16x128xf32, #tpu.memory_space<vmem>> -> memref<1x16x128xf32, #tpu.memory_space<vmem>>
        %dma_start3A_1149 = tpu.memref_squeeze %dma_start3A_1148 : memref<1x16x128xf32, #tpu.memory_space<vmem>> -> memref<16x128xf32, #tpu.memory_space<vmem>>
        %dma_start3A_1150 = arith.constant 0 : i32
        %dma_start3A_1151 = tpu.memref_slice %arg4[%dma_start3A_1150, %multiple_of3A_1138] : memref<16x1000000xf32, #tpu.memory_space<hbm>> -> memref<16x128xf32, #tpu.memory_space<hbm>>
        tpu.enqueue_dma source(%dma_start3A_1151 : memref<16x128xf32, #tpu.memory_space<hbm>>) target(%dma_start3A_1149 : memref<16x128xf32, #tpu.memory_space<vmem>>) target_semaphore(%arg18 : memref<!tpu.dma_semaphore, #tpu.memory_space<semaphore_mem>>)
      } else {
      }
      %mul3A_763 = arith.constant 16 : i32
      %mul3A_764 = arith.muli %scan3A_324, %mul3A_763 : i32
      %add3A_765 = arith.constant 7 : i32
      %add3A_766 = arith.addi %mul3A_764, %add3A_765 : i32
      %dma_wait3A_767 = arith.constant 7 : i32
      %dma_wait3A_768 = arith.constant 0 : i32
      %dma_wait3A_769 = arith.constant 0 : i32
      %dma_wait3A_770 = tpu.memref_slice %arg10[%dma_wait3A_767, %dma_wait3A_768, %dma_wait3A_769] : memref<16x16x128xf32, #tpu.memory_space<vmem>> -> memref<1x16x128xf32, #tpu.memory_space<vmem>>
      %dma_wait3A_771 = tpu.memref_squeeze %dma_wait3A_770 : memref<1x16x128xf32, #tpu.memory_space<vmem>> -> memref<16x128xf32, #tpu.memory_space<vmem>>
      %dma_wait3A_772 = arith.constant 0 : i32
      %dma_wait3A_773 = arith.constant 0 : i32
      %dma_wait3A_774 = tpu.memref_slice %arg4[%dma_wait3A_772, %dma_wait3A_773] : memref<16x1000000xf32, #tpu.memory_space<hbm>> -> memref<16x128xf32, #tpu.memory_space<hbm>>
      %dma_wait3A_775 = arith.constant 0 : i32
      %dma_wait3A_776 = arith.constant 0 : i32
      %dma_wait3A_777 = tpu.memref_slice %arg10[%dma_wait3A_767, %dma_wait3A_775, %dma_wait3A_776] : memref<16x16x128xf32, #tpu.memory_space<vmem>> -> memref<1x16x128xf32, #tpu.memory_space<vmem>>
      %dma_wait3A_778 = tpu.memref_squeeze %dma_wait3A_777 : memref<1x16x128xf32, #tpu.memory_space<vmem>> -> memref<16x128xf32, #tpu.memory_space<vmem>>
      %dma_wait3A_779 = arith.constant 0 : i32
      %dma_wait3A_780 = arith.constant 0 : i32
      %dma_wait3A_781 = tpu.memref_slice %arg4[%dma_wait3A_779, %dma_wait3A_780] : memref<16x1000000xf32, #tpu.memory_space<hbm>> -> memref<16x128xf32, #tpu.memory_space<hbm>>
      tpu.wait_dma2 semaphore(%arg19 : memref<!tpu.dma_semaphore, #tpu.memory_space<semaphore_mem>>) src(%dma_wait3A_781 : memref<16x128xf32, #tpu.memory_space<hbm>>) dst(%dma_wait3A_778 : memref<16x128xf32, #tpu.memory_space<vmem>>)
      %slice3A_782 = vector.extract_strided_slice %get3A_473 {offsets = [7], sizes = [1], strides = [1]} : vector<16xi32> to vector<1xi32>
      %squeeze3A_783 = vector.extract %slice3A_782[0] : i32 from vector<1xi32>
      %and3A_784 = arith.constant 127 : i32
      %and3A_785 = arith.andi %squeeze3A_783, %and3A_784 : i32
      %broadcast_in_dim3A_786 = vector.broadcast %and3A_785 : i32 to vector<16xi32>
      %gather3A_787 = arith.constant 7 : i32
      %gather3A_788 = arith.constant 0 : i32
      %gather3A_789 = arith.constant 0 : i32
      %gather3A_790 = tpu.memref_slice %arg10[%gather3A_787, %gather3A_788, %gather3A_789] : memref<16x16x128xf32, #tpu.memory_space<vmem>> -> memref<1x16x128xf32, #tpu.memory_space<vmem>>
      %gather3A_791 = tpu.memref_squeeze %gather3A_790 : memref<1x16x128xf32, #tpu.memory_space<vmem>> -> memref<16x128xf32, #tpu.memory_space<vmem>>
      %gather3A_792 = tpu.vector_load_idx %gather3A_791[%iota3A, %broadcast_in_dim3A_786] : memref<16x128xf32, #tpu.memory_space<vmem>>[vector<16xi32>, vector<16xi32>], vector<16xf32>,
      %broadcast_in_dim3A_793 = arith.constant 0 : i32
      %broadcast_in_dim3A_794 = vector.broadcast %broadcast_in_dim3A_793 : i32 to vector<16xi32>
      %add3A_795 = vector.broadcast %add3A_766 : i32 to vector<16xi32>
      %add3A_796 = arith.addi %broadcast_in_dim3A_794, %add3A_795 : vector<16xi32>
      tpu.vector_store_idx %arg11[%iota3A, %add3A_796], %gather3A_792 : memref<32x512xf32, #tpu.memory_space<vmem>>[vector<16xi32>, vector<16xi32>], vector<16xf32>,
      %add3A_797 = arith.constant 1 : i32
      %add3A_798 = arith.addi %scan3A_324, %add3A_797 : i32
      %lt3A_799 = arith.constant 32 : i32
      %lt3A_800 = arith.cmpi slt, %add3A_798, %lt3A_799 : i32
      %convert_element_type3A_801 = arith.extui %lt3A_800 : i1 to i32
      %cond3A_802 = arith.constant 0 : i32
      %cond3A_803 = arith.cmpi ne, %convert_element_type3A_801, %cond3A_802 : i32
      scf.if %cond3A_803 {
        %slice3A_1132 = vector.extract_strided_slice %get3A_480 {offsets = [7], sizes = [1], strides = [1]} : vector<16xi32> to vector<1xi32>
        %squeeze3A_1133 = vector.extract %slice3A_1132[0] : i32 from vector<1xi32>
        %shift_right_arithmetic3A_1134 = arith.constant 7 : i32
        %shift_right_arithmetic3A_1135 = arith.shrsi %squeeze3A_1133, %shift_right_arithmetic3A_1134 : i32
        %mul3A_1136 = arith.constant 128 : i32
        %mul3A_1137 = arith.muli %shift_right_arithmetic3A_1135, %mul3A_1136 : i32
        %multiple_of3A_1138 = tpu.assume_multiple %mul3A_1137, 128 : i32
        %dma_start3A_1139 = arith.constant 7 : i32
        %dma_start3A_1140 = arith.constant 0 : i32
        %dma_start3A_1141 = arith.constant 0 : i32
        %dma_start3A_1142 = tpu.memref_slice %arg10[%dma_start3A_1139, %dma_start3A_1140, %dma_start3A_1141] : memref<16x16x128xf32, #tpu.memory_space<vmem>> -> memref<1x16x128xf32, #tpu.memory_space<vmem>>
        %dma_start3A_1143 = tpu.memref_squeeze %dma_start3A_1142 : memref<1x16x128xf32, #tpu.memory_space<vmem>> -> memref<16x128xf32, #tpu.memory_space<vmem>>
        %dma_start3A_1144 = arith.constant 0 : i32
        %dma_start3A_1145 = tpu.memref_slice %arg4[%dma_start3A_1144, %multiple_of3A_1138] : memref<16x1000000xf32, #tpu.memory_space<hbm>> -> memref<16x128xf32, #tpu.memory_space<hbm>>
        %dma_start3A_1146 = arith.constant 0 : i32
        %dma_start3A_1147 = arith.constant 0 : i32
        %dma_start3A_1148 = tpu.memref_slice %arg10[%dma_start3A_1139, %dma_start3A_1146, %dma_start3A_1147] : memref<16x16x128xf32, #tpu.memory_space<vmem>> -> memref<1x16x128xf32, #tpu.memory_space<vmem>>
        %dma_start3A_1149 = tpu.memref_squeeze %dma_start3A_1148 : memref<1x16x128xf32, #tpu.memory_space<vmem>> -> memref<16x128xf32, #tpu.memory_space<vmem>>
        %dma_start3A_1150 = arith.constant 0 : i32
        %dma_start3A_1151 = tpu.memref_slice %arg4[%dma_start3A_1150, %multiple_of3A_1138] : memref<16x1000000xf32, #tpu.memory_space<hbm>> -> memref<16x128xf32, #tpu.memory_space<hbm>>
        tpu.enqueue_dma source(%dma_start3A_1151 : memref<16x128xf32, #tpu.memory_space<hbm>>) target(%dma_start3A_1149 : memref<16x128xf32, #tpu.memory_space<vmem>>) target_semaphore(%arg19 : memref<!tpu.dma_semaphore, #tpu.memory_space<semaphore_mem>>)
      } else {
      }
      %mul3A_804 = arith.constant 16 : i32
      %mul3A_805 = arith.muli %scan3A_324, %mul3A_804 : i32
      %add3A_806 = arith.constant 8 : i32
      %add3A_807 = arith.addi %mul3A_805, %add3A_806 : i32
      %dma_wait3A_808 = arith.constant 8 : i32
      %dma_wait3A_809 = arith.constant 0 : i32
      %dma_wait3A_810 = arith.constant 0 : i32
      %dma_wait3A_811 = tpu.memref_slice %arg10[%dma_wait3A_808, %dma_wait3A_809, %dma_wait3A_810] : memref<16x16x128xf32, #tpu.memory_space<vmem>> -> memref<1x16x128xf32, #tpu.memory_space<vmem>>
      %dma_wait3A_812 = tpu.memref_squeeze %dma_wait3A_811 : memref<1x16x128xf32, #tpu.memory_space<vmem>> -> memref<16x128xf32, #tpu.memory_space<vmem>>
      %dma_wait3A_813 = arith.constant 0 : i32
      %dma_wait3A_814 = arith.constant 0 : i32
      %dma_wait3A_815 = tpu.memref_slice %arg4[%dma_wait3A_813, %dma_wait3A_814] : memref<16x1000000xf32, #tpu.memory_space<hbm>> -> memref<16x128xf32, #tpu.memory_space<hbm>>
      %dma_wait3A_816 = arith.constant 0 : i32
      %dma_wait3A_817 = arith.constant 0 : i32
      %dma_wait3A_818 = tpu.memref_slice %arg10[%dma_wait3A_808, %dma_wait3A_816, %dma_wait3A_817] : memref<16x16x128xf32, #tpu.memory_space<vmem>> -> memref<1x16x128xf32, #tpu.memory_space<vmem>>
      %dma_wait3A_819 = tpu.memref_squeeze %dma_wait3A_818 : memref<1x16x128xf32, #tpu.memory_space<vmem>> -> memref<16x128xf32, #tpu.memory_space<vmem>>
      %dma_wait3A_820 = arith.constant 0 : i32
      %dma_wait3A_821 = arith.constant 0 : i32
      %dma_wait3A_822 = tpu.memref_slice %arg4[%dma_wait3A_820, %dma_wait3A_821] : memref<16x1000000xf32, #tpu.memory_space<hbm>> -> memref<16x128xf32, #tpu.memory_space<hbm>>
      tpu.wait_dma2 semaphore(%arg20 : memref<!tpu.dma_semaphore, #tpu.memory_space<semaphore_mem>>) src(%dma_wait3A_822 : memref<16x128xf32, #tpu.memory_space<hbm>>) dst(%dma_wait3A_819 : memref<16x128xf32, #tpu.memory_space<vmem>>)
      %slice3A_823 = vector.extract_strided_slice %get3A_473 {offsets = [8], sizes = [1], strides = [1]} : vector<16xi32> to vector<1xi32>
      %squeeze3A_824 = vector.extract %slice3A_823[0] : i32 from vector<1xi32>
      %and3A_825 = arith.constant 127 : i32
      %and3A_826 = arith.andi %squeeze3A_824, %and3A_825 : i32
      %broadcast_in_dim3A_827 = vector.broadcast %and3A_826 : i32 to vector<16xi32>
      %gather3A_828 = arith.constant 8 : i32
      %gather3A_829 = arith.constant 0 : i32
      %gather3A_830 = arith.constant 0 : i32
      %gather3A_831 = tpu.memref_slice %arg10[%gather3A_828, %gather3A_829, %gather3A_830] : memref<16x16x128xf32, #tpu.memory_space<vmem>> -> memref<1x16x128xf32, #tpu.memory_space<vmem>>
      %gather3A_832 = tpu.memref_squeeze %gather3A_831 : memref<1x16x128xf32, #tpu.memory_space<vmem>> -> memref<16x128xf32, #tpu.memory_space<vmem>>
      %gather3A_833 = tpu.vector_load_idx %gather3A_832[%iota3A, %broadcast_in_dim3A_827] : memref<16x128xf32, #tpu.memory_space<vmem>>[vector<16xi32>, vector<16xi32>], vector<16xf32>,
      %broadcast_in_dim3A_834 = arith.constant 0 : i32
      %broadcast_in_dim3A_835 = vector.broadcast %broadcast_in_dim3A_834 : i32 to vector<16xi32>
      %add3A_836 = vector.broadcast %add3A_807 : i32 to vector<16xi32>
      %add3A_837 = arith.addi %broadcast_in_dim3A_835, %add3A_836 : vector<16xi32>
      tpu.vector_store_idx %arg11[%iota3A, %add3A_837], %gather3A_833 : memref<32x512xf32, #tpu.memory_space<vmem>>[vector<16xi32>, vector<16xi32>], vector<16xf32>,
      %add3A_838 = arith.constant 1 : i32
      %add3A_839 = arith.addi %scan3A_324, %add3A_838 : i32
      %lt3A_840 = arith.constant 32 : i32
      %lt3A_841 = arith.cmpi slt, %add3A_839, %lt3A_840 : i32
      %convert_element_type3A_842 = arith.extui %lt3A_841 : i1 to i32
      %cond3A_843 = arith.constant 0 : i32
      %cond3A_844 = arith.cmpi ne, %convert_element_type3A_842, %cond3A_843 : i32
      scf.if %cond3A_844 {
        %slice3A_1132 = vector.extract_strided_slice %get3A_480 {offsets = [8], sizes = [1], strides = [1]} : vector<16xi32> to vector<1xi32>
        %squeeze3A_1133 = vector.extract %slice3A_1132[0] : i32 from vector<1xi32>
        %shift_right_arithmetic3A_1134 = arith.constant 7 : i32
        %shift_right_arithmetic3A_1135 = arith.shrsi %squeeze3A_1133, %shift_right_arithmetic3A_1134 : i32
        %mul3A_1136 = arith.constant 128 : i32
        %mul3A_1137 = arith.muli %shift_right_arithmetic3A_1135, %mul3A_1136 : i32
        %multiple_of3A_1138 = tpu.assume_multiple %mul3A_1137, 128 : i32
        %dma_start3A_1139 = arith.constant 8 : i32
        %dma_start3A_1140 = arith.constant 0 : i32
        %dma_start3A_1141 = arith.constant 0 : i32
        %dma_start3A_1142 = tpu.memref_slice %arg10[%dma_start3A_1139, %dma_start3A_1140, %dma_start3A_1141] : memref<16x16x128xf32, #tpu.memory_space<vmem>> -> memref<1x16x128xf32, #tpu.memory_space<vmem>>
        %dma_start3A_1143 = tpu.memref_squeeze %dma_start3A_1142 : memref<1x16x128xf32, #tpu.memory_space<vmem>> -> memref<16x128xf32, #tpu.memory_space<vmem>>
        %dma_start3A_1144 = arith.constant 0 : i32
        %dma_start3A_1145 = tpu.memref_slice %arg4[%dma_start3A_1144, %multiple_of3A_1138] : memref<16x1000000xf32, #tpu.memory_space<hbm>> -> memref<16x128xf32, #tpu.memory_space<hbm>>
        %dma_start3A_1146 = arith.constant 0 : i32
        %dma_start3A_1147 = arith.constant 0 : i32
        %dma_start3A_1148 = tpu.memref_slice %arg10[%dma_start3A_1139, %dma_start3A_1146, %dma_start3A_1147] : memref<16x16x128xf32, #tpu.memory_space<vmem>> -> memref<1x16x128xf32, #tpu.memory_space<vmem>>
        %dma_start3A_1149 = tpu.memref_squeeze %dma_start3A_1148 : memref<1x16x128xf32, #tpu.memory_space<vmem>> -> memref<16x128xf32, #tpu.memory_space<vmem>>
        %dma_start3A_1150 = arith.constant 0 : i32
        %dma_start3A_1151 = tpu.memref_slice %arg4[%dma_start3A_1150, %multiple_of3A_1138] : memref<16x1000000xf32, #tpu.memory_space<hbm>> -> memref<16x128xf32, #tpu.memory_space<hbm>>
        tpu.enqueue_dma source(%dma_start3A_1151 : memref<16x128xf32, #tpu.memory_space<hbm>>) target(%dma_start3A_1149 : memref<16x128xf32, #tpu.memory_space<vmem>>) target_semaphore(%arg20 : memref<!tpu.dma_semaphore, #tpu.memory_space<semaphore_mem>>)
      } else {
      }
      %mul3A_845 = arith.constant 16 : i32
      %mul3A_846 = arith.muli %scan3A_324, %mul3A_845 : i32
      %add3A_847 = arith.constant 9 : i32
      %add3A_848 = arith.addi %mul3A_846, %add3A_847 : i32
      %dma_wait3A_849 = arith.constant 9 : i32
      %dma_wait3A_850 = arith.constant 0 : i32
      %dma_wait3A_851 = arith.constant 0 : i32
      %dma_wait3A_852 = tpu.memref_slice %arg10[%dma_wait3A_849, %dma_wait3A_850, %dma_wait3A_851] : memref<16x16x128xf32, #tpu.memory_space<vmem>> -> memref<1x16x128xf32, #tpu.memory_space<vmem>>
      %dma_wait3A_853 = tpu.memref_squeeze %dma_wait3A_852 : memref<1x16x128xf32, #tpu.memory_space<vmem>> -> memref<16x128xf32, #tpu.memory_space<vmem>>
      %dma_wait3A_854 = arith.constant 0 : i32
      %dma_wait3A_855 = arith.constant 0 : i32
      %dma_wait3A_856 = tpu.memref_slice %arg4[%dma_wait3A_854, %dma_wait3A_855] : memref<16x1000000xf32, #tpu.memory_space<hbm>> -> memref<16x128xf32, #tpu.memory_space<hbm>>
      %dma_wait3A_857 = arith.constant 0 : i32
      %dma_wait3A_858 = arith.constant 0 : i32
      %dma_wait3A_859 = tpu.memref_slice %arg10[%dma_wait3A_849, %dma_wait3A_857, %dma_wait3A_858] : memref<16x16x128xf32, #tpu.memory_space<vmem>> -> memref<1x16x128xf32, #tpu.memory_space<vmem>>
      %dma_wait3A_860 = tpu.memref_squeeze %dma_wait3A_859 : memref<1x16x128xf32, #tpu.memory_space<vmem>> -> memref<16x128xf32, #tpu.memory_space<vmem>>
      %dma_wait3A_861 = arith.constant 0 : i32
      %dma_wait3A_862 = arith.constant 0 : i32
      %dma_wait3A_863 = tpu.memref_slice %arg4[%dma_wait3A_861, %dma_wait3A_862] : memref<16x1000000xf32, #tpu.memory_space<hbm>> -> memref<16x128xf32, #tpu.memory_space<hbm>>
      tpu.wait_dma2 semaphore(%arg21 : memref<!tpu.dma_semaphore, #tpu.memory_space<semaphore_mem>>) src(%dma_wait3A_863 : memref<16x128xf32, #tpu.memory_space<hbm>>) dst(%dma_wait3A_860 : memref<16x128xf32, #tpu.memory_space<vmem>>)
      %slice3A_864 = vector.extract_strided_slice %get3A_473 {offsets = [9], sizes = [1], strides = [1]} : vector<16xi32> to vector<1xi32>
      %squeeze3A_865 = vector.extract %slice3A_864[0] : i32 from vector<1xi32>
      %and3A_866 = arith.constant 127 : i32
      %and3A_867 = arith.andi %squeeze3A_865, %and3A_866 : i32
      %broadcast_in_dim3A_868 = vector.broadcast %and3A_867 : i32 to vector<16xi32>
      %gather3A_869 = arith.constant 9 : i32
      %gather3A_870 = arith.constant 0 : i32
      %gather3A_871 = arith.constant 0 : i32
      %gather3A_872 = tpu.memref_slice %arg10[%gather3A_869, %gather3A_870, %gather3A_871] : memref<16x16x128xf32, #tpu.memory_space<vmem>> -> memref<1x16x128xf32, #tpu.memory_space<vmem>>
      %gather3A_873 = tpu.memref_squeeze %gather3A_872 : memref<1x16x128xf32, #tpu.memory_space<vmem>> -> memref<16x128xf32, #tpu.memory_space<vmem>>
      %gather3A_874 = tpu.vector_load_idx %gather3A_873[%iota3A, %broadcast_in_dim3A_868] : memref<16x128xf32, #tpu.memory_space<vmem>>[vector<16xi32>, vector<16xi32>], vector<16xf32>,
      %broadcast_in_dim3A_875 = arith.constant 0 : i32
      %broadcast_in_dim3A_876 = vector.broadcast %broadcast_in_dim3A_875 : i32 to vector<16xi32>
      %add3A_877 = vector.broadcast %add3A_848 : i32 to vector<16xi32>
      %add3A_878 = arith.addi %broadcast_in_dim3A_876, %add3A_877 : vector<16xi32>
      tpu.vector_store_idx %arg11[%iota3A, %add3A_878], %gather3A_874 : memref<32x512xf32, #tpu.memory_space<vmem>>[vector<16xi32>, vector<16xi32>], vector<16xf32>,
      %add3A_879 = arith.constant 1 : i32
      %add3A_880 = arith.addi %scan3A_324, %add3A_879 : i32
      %lt3A_881 = arith.constant 32 : i32
      %lt3A_882 = arith.cmpi slt, %add3A_880, %lt3A_881 : i32
      %convert_element_type3A_883 = arith.extui %lt3A_882 : i1 to i32
      %cond3A_884 = arith.constant 0 : i32
      %cond3A_885 = arith.cmpi ne, %convert_element_type3A_883, %cond3A_884 : i32
      scf.if %cond3A_885 {
        %slice3A_1132 = vector.extract_strided_slice %get3A_480 {offsets = [9], sizes = [1], strides = [1]} : vector<16xi32> to vector<1xi32>
        %squeeze3A_1133 = vector.extract %slice3A_1132[0] : i32 from vector<1xi32>
        %shift_right_arithmetic3A_1134 = arith.constant 7 : i32
        %shift_right_arithmetic3A_1135 = arith.shrsi %squeeze3A_1133, %shift_right_arithmetic3A_1134 : i32
        %mul3A_1136 = arith.constant 128 : i32
        %mul3A_1137 = arith.muli %shift_right_arithmetic3A_1135, %mul3A_1136 : i32
        %multiple_of3A_1138 = tpu.assume_multiple %mul3A_1137, 128 : i32
        %dma_start3A_1139 = arith.constant 9 : i32
        %dma_start3A_1140 = arith.constant 0 : i32
        %dma_start3A_1141 = arith.constant 0 : i32
        %dma_start3A_1142 = tpu.memref_slice %arg10[%dma_start3A_1139, %dma_start3A_1140, %dma_start3A_1141] : memref<16x16x128xf32, #tpu.memory_space<vmem>> -> memref<1x16x128xf32, #tpu.memory_space<vmem>>
        %dma_start3A_1143 = tpu.memref_squeeze %dma_start3A_1142 : memref<1x16x128xf32, #tpu.memory_space<vmem>> -> memref<16x128xf32, #tpu.memory_space<vmem>>
        %dma_start3A_1144 = arith.constant 0 : i32
        %dma_start3A_1145 = tpu.memref_slice %arg4[%dma_start3A_1144, %multiple_of3A_1138] : memref<16x1000000xf32, #tpu.memory_space<hbm>> -> memref<16x128xf32, #tpu.memory_space<hbm>>
        %dma_start3A_1146 = arith.constant 0 : i32
        %dma_start3A_1147 = arith.constant 0 : i32
        %dma_start3A_1148 = tpu.memref_slice %arg10[%dma_start3A_1139, %dma_start3A_1146, %dma_start3A_1147] : memref<16x16x128xf32, #tpu.memory_space<vmem>> -> memref<1x16x128xf32, #tpu.memory_space<vmem>>
        %dma_start3A_1149 = tpu.memref_squeeze %dma_start3A_1148 : memref<1x16x128xf32, #tpu.memory_space<vmem>> -> memref<16x128xf32, #tpu.memory_space<vmem>>
        %dma_start3A_1150 = arith.constant 0 : i32
        %dma_start3A_1151 = tpu.memref_slice %arg4[%dma_start3A_1150, %multiple_of3A_1138] : memref<16x1000000xf32, #tpu.memory_space<hbm>> -> memref<16x128xf32, #tpu.memory_space<hbm>>
        tpu.enqueue_dma source(%dma_start3A_1151 : memref<16x128xf32, #tpu.memory_space<hbm>>) target(%dma_start3A_1149 : memref<16x128xf32, #tpu.memory_space<vmem>>) target_semaphore(%arg21 : memref<!tpu.dma_semaphore, #tpu.memory_space<semaphore_mem>>)
      } else {
      }
      %mul3A_886 = arith.constant 16 : i32
      %mul3A_887 = arith.muli %scan3A_324, %mul3A_886 : i32
      %add3A_888 = arith.constant 10 : i32
      %add3A_889 = arith.addi %mul3A_887, %add3A_888 : i32
      %dma_wait3A_890 = arith.constant 10 : i32
      %dma_wait3A_891 = arith.constant 0 : i32
      %dma_wait3A_892 = arith.constant 0 : i32
      %dma_wait3A_893 = tpu.memref_slice %arg10[%dma_wait3A_890, %dma_wait3A_891, %dma_wait3A_892] : memref<16x16x128xf32, #tpu.memory_space<vmem>> -> memref<1x16x128xf32, #tpu.memory_space<vmem>>
      %dma_wait3A_894 = tpu.memref_squeeze %dma_wait3A_893 : memref<1x16x128xf32, #tpu.memory_space<vmem>> -> memref<16x128xf32, #tpu.memory_space<vmem>>
      %dma_wait3A_895 = arith.constant 0 : i32
      %dma_wait3A_896 = arith.constant 0 : i32
      %dma_wait3A_897 = tpu.memref_slice %arg4[%dma_wait3A_895, %dma_wait3A_896] : memref<16x1000000xf32, #tpu.memory_space<hbm>> -> memref<16x128xf32, #tpu.memory_space<hbm>>
      %dma_wait3A_898 = arith.constant 0 : i32
      %dma_wait3A_899 = arith.constant 0 : i32
      %dma_wait3A_900 = tpu.memref_slice %arg10[%dma_wait3A_890, %dma_wait3A_898, %dma_wait3A_899] : memref<16x16x128xf32, #tpu.memory_space<vmem>> -> memref<1x16x128xf32, #tpu.memory_space<vmem>>
      %dma_wait3A_901 = tpu.memref_squeeze %dma_wait3A_900 : memref<1x16x128xf32, #tpu.memory_space<vmem>> -> memref<16x128xf32, #tpu.memory_space<vmem>>
      %dma_wait3A_902 = arith.constant 0 : i32
      %dma_wait3A_903 = arith.constant 0 : i32
      %dma_wait3A_904 = tpu.memref_slice %arg4[%dma_wait3A_902, %dma_wait3A_903] : memref<16x1000000xf32, #tpu.memory_space<hbm>> -> memref<16x128xf32, #tpu.memory_space<hbm>>
      tpu.wait_dma2 semaphore(%arg22 : memref<!tpu.dma_semaphore, #tpu.memory_space<semaphore_mem>>) src(%dma_wait3A_904 : memref<16x128xf32, #tpu.memory_space<hbm>>) dst(%dma_wait3A_901 : memref<16x128xf32, #tpu.memory_space<vmem>>)
      %slice3A_905 = vector.extract_strided_slice %get3A_473 {offsets = [10], sizes = [1], strides = [1]} : vector<16xi32> to vector<1xi32>
      %squeeze3A_906 = vector.extract %slice3A_905[0] : i32 from vector<1xi32>
      %and3A_907 = arith.constant 127 : i32
      %and3A_908 = arith.andi %squeeze3A_906, %and3A_907 : i32
      %broadcast_in_dim3A_909 = vector.broadcast %and3A_908 : i32 to vector<16xi32>
      %gather3A_910 = arith.constant 10 : i32
      %gather3A_911 = arith.constant 0 : i32
      %gather3A_912 = arith.constant 0 : i32
      %gather3A_913 = tpu.memref_slice %arg10[%gather3A_910, %gather3A_911, %gather3A_912] : memref<16x16x128xf32, #tpu.memory_space<vmem>> -> memref<1x16x128xf32, #tpu.memory_space<vmem>>
      %gather3A_914 = tpu.memref_squeeze %gather3A_913 : memref<1x16x128xf32, #tpu.memory_space<vmem>> -> memref<16x128xf32, #tpu.memory_space<vmem>>
      %gather3A_915 = tpu.vector_load_idx %gather3A_914[%iota3A, %broadcast_in_dim3A_909] : memref<16x128xf32, #tpu.memory_space<vmem>>[vector<16xi32>, vector<16xi32>], vector<16xf32>,
      %broadcast_in_dim3A_916 = arith.constant 0 : i32
      %broadcast_in_dim3A_917 = vector.broadcast %broadcast_in_dim3A_916 : i32 to vector<16xi32>
      %add3A_918 = vector.broadcast %add3A_889 : i32 to vector<16xi32>
      %add3A_919 = arith.addi %broadcast_in_dim3A_917, %add3A_918 : vector<16xi32>
      tpu.vector_store_idx %arg11[%iota3A, %add3A_919], %gather3A_915 : memref<32x512xf32, #tpu.memory_space<vmem>>[vector<16xi32>, vector<16xi32>], vector<16xf32>,
      %add3A_920 = arith.constant 1 : i32
      %add3A_921 = arith.addi %scan3A_324, %add3A_920 : i32
      %lt3A_922 = arith.constant 32 : i32
      %lt3A_923 = arith.cmpi slt, %add3A_921, %lt3A_922 : i32
      %convert_element_type3A_924 = arith.extui %lt3A_923 : i1 to i32
      %cond3A_925 = arith.constant 0 : i32
      %cond3A_926 = arith.cmpi ne, %convert_element_type3A_924, %cond3A_925 : i32
      scf.if %cond3A_926 {
        %slice3A_1132 = vector.extract_strided_slice %get3A_480 {offsets = [10], sizes = [1], strides = [1]} : vector<16xi32> to vector<1xi32>
        %squeeze3A_1133 = vector.extract %slice3A_1132[0] : i32 from vector<1xi32>
        %shift_right_arithmetic3A_1134 = arith.constant 7 : i32
        %shift_right_arithmetic3A_1135 = arith.shrsi %squeeze3A_1133, %shift_right_arithmetic3A_1134 : i32
        %mul3A_1136 = arith.constant 128 : i32
        %mul3A_1137 = arith.muli %shift_right_arithmetic3A_1135, %mul3A_1136 : i32
        %multiple_of3A_1138 = tpu.assume_multiple %mul3A_1137, 128 : i32
        %dma_start3A_1139 = arith.constant 10 : i32
        %dma_start3A_1140 = arith.constant 0 : i32
        %dma_start3A_1141 = arith.constant 0 : i32
        %dma_start3A_1142 = tpu.memref_slice %arg10[%dma_start3A_1139, %dma_start3A_1140, %dma_start3A_1141] : memref<16x16x128xf32, #tpu.memory_space<vmem>> -> memref<1x16x128xf32, #tpu.memory_space<vmem>>
        %dma_start3A_1143 = tpu.memref_squeeze %dma_start3A_1142 : memref<1x16x128xf32, #tpu.memory_space<vmem>> -> memref<16x128xf32, #tpu.memory_space<vmem>>
        %dma_start3A_1144 = arith.constant 0 : i32
        %dma_start3A_1145 = tpu.memref_slice %arg4[%dma_start3A_1144, %multiple_of3A_1138] : memref<16x1000000xf32, #tpu.memory_space<hbm>> -> memref<16x128xf32, #tpu.memory_space<hbm>>
        %dma_start3A_1146 = arith.constant 0 : i32
        %dma_start3A_1147 = arith.constant 0 : i32
        %dma_start3A_1148 = tpu.memref_slice %arg10[%dma_start3A_1139, %dma_start3A_1146, %dma_start3A_1147] : memref<16x16x128xf32, #tpu.memory_space<vmem>> -> memref<1x16x128xf32, #tpu.memory_space<vmem>>
        %dma_start3A_1149 = tpu.memref_squeeze %dma_start3A_1148 : memref<1x16x128xf32, #tpu.memory_space<vmem>> -> memref<16x128xf32, #tpu.memory_space<vmem>>
        %dma_start3A_1150 = arith.constant 0 : i32
        %dma_start3A_1151 = tpu.memref_slice %arg4[%dma_start3A_1150, %multiple_of3A_1138] : memref<16x1000000xf32, #tpu.memory_space<hbm>> -> memref<16x128xf32, #tpu.memory_space<hbm>>
        tpu.enqueue_dma source(%dma_start3A_1151 : memref<16x128xf32, #tpu.memory_space<hbm>>) target(%dma_start3A_1149 : memref<16x128xf32, #tpu.memory_space<vmem>>) target_semaphore(%arg22 : memref<!tpu.dma_semaphore, #tpu.memory_space<semaphore_mem>>)
      } else {
      }
      %mul3A_927 = arith.constant 16 : i32
      %mul3A_928 = arith.muli %scan3A_324, %mul3A_927 : i32
      %add3A_929 = arith.constant 11 : i32
      %add3A_930 = arith.addi %mul3A_928, %add3A_929 : i32
      %dma_wait3A_931 = arith.constant 11 : i32
      %dma_wait3A_932 = arith.constant 0 : i32
      %dma_wait3A_933 = arith.constant 0 : i32
      %dma_wait3A_934 = tpu.memref_slice %arg10[%dma_wait3A_931, %dma_wait3A_932, %dma_wait3A_933] : memref<16x16x128xf32, #tpu.memory_space<vmem>> -> memref<1x16x128xf32, #tpu.memory_space<vmem>>
      %dma_wait3A_935 = tpu.memref_squeeze %dma_wait3A_934 : memref<1x16x128xf32, #tpu.memory_space<vmem>> -> memref<16x128xf32, #tpu.memory_space<vmem>>
      %dma_wait3A_936 = arith.constant 0 : i32
      %dma_wait3A_937 = arith.constant 0 : i32
      %dma_wait3A_938 = tpu.memref_slice %arg4[%dma_wait3A_936, %dma_wait3A_937] : memref<16x1000000xf32, #tpu.memory_space<hbm>> -> memref<16x128xf32, #tpu.memory_space<hbm>>
      %dma_wait3A_939 = arith.constant 0 : i32
      %dma_wait3A_940 = arith.constant 0 : i32
      %dma_wait3A_941 = tpu.memref_slice %arg10[%dma_wait3A_931, %dma_wait3A_939, %dma_wait3A_940] : memref<16x16x128xf32, #tpu.memory_space<vmem>> -> memref<1x16x128xf32, #tpu.memory_space<vmem>>
      %dma_wait3A_942 = tpu.memref_squeeze %dma_wait3A_941 : memref<1x16x128xf32, #tpu.memory_space<vmem>> -> memref<16x128xf32, #tpu.memory_space<vmem>>
      %dma_wait3A_943 = arith.constant 0 : i32
      %dma_wait3A_944 = arith.constant 0 : i32
      %dma_wait3A_945 = tpu.memref_slice %arg4[%dma_wait3A_943, %dma_wait3A_944] : memref<16x1000000xf32, #tpu.memory_space<hbm>> -> memref<16x128xf32, #tpu.memory_space<hbm>>
      tpu.wait_dma2 semaphore(%arg23 : memref<!tpu.dma_semaphore, #tpu.memory_space<semaphore_mem>>) src(%dma_wait3A_945 : memref<16x128xf32, #tpu.memory_space<hbm>>) dst(%dma_wait3A_942 : memref<16x128xf32, #tpu.memory_space<vmem>>)
      %slice3A_946 = vector.extract_strided_slice %get3A_473 {offsets = [11], sizes = [1], strides = [1]} : vector<16xi32> to vector<1xi32>
      %squeeze3A_947 = vector.extract %slice3A_946[0] : i32 from vector<1xi32>
      %and3A_948 = arith.constant 127 : i32
      %and3A_949 = arith.andi %squeeze3A_947, %and3A_948 : i32
      %broadcast_in_dim3A_950 = vector.broadcast %and3A_949 : i32 to vector<16xi32>
      %gather3A_951 = arith.constant 11 : i32
      %gather3A_952 = arith.constant 0 : i32
      %gather3A_953 = arith.constant 0 : i32
      %gather3A_954 = tpu.memref_slice %arg10[%gather3A_951, %gather3A_952, %gather3A_953] : memref<16x16x128xf32, #tpu.memory_space<vmem>> -> memref<1x16x128xf32, #tpu.memory_space<vmem>>
      %gather3A_955 = tpu.memref_squeeze %gather3A_954 : memref<1x16x128xf32, #tpu.memory_space<vmem>> -> memref<16x128xf32, #tpu.memory_space<vmem>>
      %gather3A_956 = tpu.vector_load_idx %gather3A_955[%iota3A, %broadcast_in_dim3A_950] : memref<16x128xf32, #tpu.memory_space<vmem>>[vector<16xi32>, vector<16xi32>], vector<16xf32>,
      %broadcast_in_dim3A_957 = arith.constant 0 : i32
      %broadcast_in_dim3A_958 = vector.broadcast %broadcast_in_dim3A_957 : i32 to vector<16xi32>
      %add3A_959 = vector.broadcast %add3A_930 : i32 to vector<16xi32>
      %add3A_960 = arith.addi %broadcast_in_dim3A_958, %add3A_959 : vector<16xi32>
      tpu.vector_store_idx %arg11[%iota3A, %add3A_960], %gather3A_956 : memref<32x512xf32, #tpu.memory_space<vmem>>[vector<16xi32>, vector<16xi32>], vector<16xf32>,
      %add3A_961 = arith.constant 1 : i32
      %add3A_962 = arith.addi %scan3A_324, %add3A_961 : i32
      %lt3A_963 = arith.constant 32 : i32
      %lt3A_964 = arith.cmpi slt, %add3A_962, %lt3A_963 : i32
      %convert_element_type3A_965 = arith.extui %lt3A_964 : i1 to i32
      %cond3A_966 = arith.constant 0 : i32
      %cond3A_967 = arith.cmpi ne, %convert_element_type3A_965, %cond3A_966 : i32
      scf.if %cond3A_967 {
        %slice3A_1132 = vector.extract_strided_slice %get3A_480 {offsets = [11], sizes = [1], strides = [1]} : vector<16xi32> to vector<1xi32>
        %squeeze3A_1133 = vector.extract %slice3A_1132[0] : i32 from vector<1xi32>
        %shift_right_arithmetic3A_1134 = arith.constant 7 : i32
        %shift_right_arithmetic3A_1135 = arith.shrsi %squeeze3A_1133, %shift_right_arithmetic3A_1134 : i32
        %mul3A_1136 = arith.constant 128 : i32
        %mul3A_1137 = arith.muli %shift_right_arithmetic3A_1135, %mul3A_1136 : i32
        %multiple_of3A_1138 = tpu.assume_multiple %mul3A_1137, 128 : i32
        %dma_start3A_1139 = arith.constant 11 : i32
        %dma_start3A_1140 = arith.constant 0 : i32
        %dma_start3A_1141 = arith.constant 0 : i32
        %dma_start3A_1142 = tpu.memref_slice %arg10[%dma_start3A_1139, %dma_start3A_1140, %dma_start3A_1141] : memref<16x16x128xf32, #tpu.memory_space<vmem>> -> memref<1x16x128xf32, #tpu.memory_space<vmem>>
        %dma_start3A_1143 = tpu.memref_squeeze %dma_start3A_1142 : memref<1x16x128xf32, #tpu.memory_space<vmem>> -> memref<16x128xf32, #tpu.memory_space<vmem>>
        %dma_start3A_1144 = arith.constant 0 : i32
        %dma_start3A_1145 = tpu.memref_slice %arg4[%dma_start3A_1144, %multiple_of3A_1138] : memref<16x1000000xf32, #tpu.memory_space<hbm>> -> memref<16x128xf32, #tpu.memory_space<hbm>>
        %dma_start3A_1146 = arith.constant 0 : i32
        %dma_start3A_1147 = arith.constant 0 : i32
        %dma_start3A_1148 = tpu.memref_slice %arg10[%dma_start3A_1139, %dma_start3A_1146, %dma_start3A_1147] : memref<16x16x128xf32, #tpu.memory_space<vmem>> -> memref<1x16x128xf32, #tpu.memory_space<vmem>>
        %dma_start3A_1149 = tpu.memref_squeeze %dma_start3A_1148 : memref<1x16x128xf32, #tpu.memory_space<vmem>> -> memref<16x128xf32, #tpu.memory_space<vmem>>
        %dma_start3A_1150 = arith.constant 0 : i32
        %dma_start3A_1151 = tpu.memref_slice %arg4[%dma_start3A_1150, %multiple_of3A_1138] : memref<16x1000000xf32, #tpu.memory_space<hbm>> -> memref<16x128xf32, #tpu.memory_space<hbm>>
        tpu.enqueue_dma source(%dma_start3A_1151 : memref<16x128xf32, #tpu.memory_space<hbm>>) target(%dma_start3A_1149 : memref<16x128xf32, #tpu.memory_space<vmem>>) target_semaphore(%arg23 : memref<!tpu.dma_semaphore, #tpu.memory_space<semaphore_mem>>)
      } else {
      }
      %mul3A_968 = arith.constant 16 : i32
      %mul3A_969 = arith.muli %scan3A_324, %mul3A_968 : i32
      %add3A_970 = arith.constant 12 : i32
      %add3A_971 = arith.addi %mul3A_969, %add3A_970 : i32
      %dma_wait3A_972 = arith.constant 12 : i32
      %dma_wait3A_973 = arith.constant 0 : i32
      %dma_wait3A_974 = arith.constant 0 : i32
      %dma_wait3A_975 = tpu.memref_slice %arg10[%dma_wait3A_972, %dma_wait3A_973, %dma_wait3A_974] : memref<16x16x128xf32, #tpu.memory_space<vmem>> -> memref<1x16x128xf32, #tpu.memory_space<vmem>>
      %dma_wait3A_976 = tpu.memref_squeeze %dma_wait3A_975 : memref<1x16x128xf32, #tpu.memory_space<vmem>> -> memref<16x128xf32, #tpu.memory_space<vmem>>
      %dma_wait3A_977 = arith.constant 0 : i32
      %dma_wait3A_978 = arith.constant 0 : i32
      %dma_wait3A_979 = tpu.memref_slice %arg4[%dma_wait3A_977, %dma_wait3A_978] : memref<16x1000000xf32, #tpu.memory_space<hbm>> -> memref<16x128xf32, #tpu.memory_space<hbm>>
      %dma_wait3A_980 = arith.constant 0 : i32
      %dma_wait3A_981 = arith.constant 0 : i32
      %dma_wait3A_982 = tpu.memref_slice %arg10[%dma_wait3A_972, %dma_wait3A_980, %dma_wait3A_981] : memref<16x16x128xf32, #tpu.memory_space<vmem>> -> memref<1x16x128xf32, #tpu.memory_space<vmem>>
      %dma_wait3A_983 = tpu.memref_squeeze %dma_wait3A_982 : memref<1x16x128xf32, #tpu.memory_space<vmem>> -> memref<16x128xf32, #tpu.memory_space<vmem>>
      %dma_wait3A_984 = arith.constant 0 : i32
      %dma_wait3A_985 = arith.constant 0 : i32
      %dma_wait3A_986 = tpu.memref_slice %arg4[%dma_wait3A_984, %dma_wait3A_985] : memref<16x1000000xf32, #tpu.memory_space<hbm>> -> memref<16x128xf32, #tpu.memory_space<hbm>>
      tpu.wait_dma2 semaphore(%arg24 : memref<!tpu.dma_semaphore, #tpu.memory_space<semaphore_mem>>) src(%dma_wait3A_986 : memref<16x128xf32, #tpu.memory_space<hbm>>) dst(%dma_wait3A_983 : memref<16x128xf32, #tpu.memory_space<vmem>>)
      %slice3A_987 = vector.extract_strided_slice %get3A_473 {offsets = [12], sizes = [1], strides = [1]} : vector<16xi32> to vector<1xi32>
      %squeeze3A_988 = vector.extract %slice3A_987[0] : i32 from vector<1xi32>
      %and3A_989 = arith.constant 127 : i32
      %and3A_990 = arith.andi %squeeze3A_988, %and3A_989 : i32
      %broadcast_in_dim3A_991 = vector.broadcast %and3A_990 : i32 to vector<16xi32>
      %gather3A_992 = arith.constant 12 : i32
      %gather3A_993 = arith.constant 0 : i32
      %gather3A_994 = arith.constant 0 : i32
      %gather3A_995 = tpu.memref_slice %arg10[%gather3A_992, %gather3A_993, %gather3A_994] : memref<16x16x128xf32, #tpu.memory_space<vmem>> -> memref<1x16x128xf32, #tpu.memory_space<vmem>>
      %gather3A_996 = tpu.memref_squeeze %gather3A_995 : memref<1x16x128xf32, #tpu.memory_space<vmem>> -> memref<16x128xf32, #tpu.memory_space<vmem>>
      %gather3A_997 = tpu.vector_load_idx %gather3A_996[%iota3A, %broadcast_in_dim3A_991] : memref<16x128xf32, #tpu.memory_space<vmem>>[vector<16xi32>, vector<16xi32>], vector<16xf32>,
      %broadcast_in_dim3A_998 = arith.constant 0 : i32
      %broadcast_in_dim3A_999 = vector.broadcast %broadcast_in_dim3A_998 : i32 to vector<16xi32>
      %add3A_1000 = vector.broadcast %add3A_971 : i32 to vector<16xi32>
      %add3A_1001 = arith.addi %broadcast_in_dim3A_999, %add3A_1000 : vector<16xi32>
      tpu.vector_store_idx %arg11[%iota3A, %add3A_1001], %gather3A_997 : memref<32x512xf32, #tpu.memory_space<vmem>>[vector<16xi32>, vector<16xi32>], vector<16xf32>,
      %add3A_1002 = arith.constant 1 : i32
      %add3A_1003 = arith.addi %scan3A_324, %add3A_1002 : i32
      %lt3A_1004 = arith.constant 32 : i32
      %lt3A_1005 = arith.cmpi slt, %add3A_1003, %lt3A_1004 : i32
      %convert_element_type3A_1006 = arith.extui %lt3A_1005 : i1 to i32
      %cond3A_1007 = arith.constant 0 : i32
      %cond3A_1008 = arith.cmpi ne, %convert_element_type3A_1006, %cond3A_1007 : i32
      scf.if %cond3A_1008 {
        %slice3A_1132 = vector.extract_strided_slice %get3A_480 {offsets = [12], sizes = [1], strides = [1]} : vector<16xi32> to vector<1xi32>
        %squeeze3A_1133 = vector.extract %slice3A_1132[0] : i32 from vector<1xi32>
        %shift_right_arithmetic3A_1134 = arith.constant 7 : i32
        %shift_right_arithmetic3A_1135 = arith.shrsi %squeeze3A_1133, %shift_right_arithmetic3A_1134 : i32
        %mul3A_1136 = arith.constant 128 : i32
        %mul3A_1137 = arith.muli %shift_right_arithmetic3A_1135, %mul3A_1136 : i32
        %multiple_of3A_1138 = tpu.assume_multiple %mul3A_1137, 128 : i32
        %dma_start3A_1139 = arith.constant 12 : i32
        %dma_start3A_1140 = arith.constant 0 : i32
        %dma_start3A_1141 = arith.constant 0 : i32
        %dma_start3A_1142 = tpu.memref_slice %arg10[%dma_start3A_1139, %dma_start3A_1140, %dma_start3A_1141] : memref<16x16x128xf32, #tpu.memory_space<vmem>> -> memref<1x16x128xf32, #tpu.memory_space<vmem>>
        %dma_start3A_1143 = tpu.memref_squeeze %dma_start3A_1142 : memref<1x16x128xf32, #tpu.memory_space<vmem>> -> memref<16x128xf32, #tpu.memory_space<vmem>>
        %dma_start3A_1144 = arith.constant 0 : i32
        %dma_start3A_1145 = tpu.memref_slice %arg4[%dma_start3A_1144, %multiple_of3A_1138] : memref<16x1000000xf32, #tpu.memory_space<hbm>> -> memref<16x128xf32, #tpu.memory_space<hbm>>
        %dma_start3A_1146 = arith.constant 0 : i32
        %dma_start3A_1147 = arith.constant 0 : i32
        %dma_start3A_1148 = tpu.memref_slice %arg10[%dma_start3A_1139, %dma_start3A_1146, %dma_start3A_1147] : memref<16x16x128xf32, #tpu.memory_space<vmem>> -> memref<1x16x128xf32, #tpu.memory_space<vmem>>
        %dma_start3A_1149 = tpu.memref_squeeze %dma_start3A_1148 : memref<1x16x128xf32, #tpu.memory_space<vmem>> -> memref<16x128xf32, #tpu.memory_space<vmem>>
        %dma_start3A_1150 = arith.constant 0 : i32
        %dma_start3A_1151 = tpu.memref_slice %arg4[%dma_start3A_1150, %multiple_of3A_1138] : memref<16x1000000xf32, #tpu.memory_space<hbm>> -> memref<16x128xf32, #tpu.memory_space<hbm>>
        tpu.enqueue_dma source(%dma_start3A_1151 : memref<16x128xf32, #tpu.memory_space<hbm>>) target(%dma_start3A_1149 : memref<16x128xf32, #tpu.memory_space<vmem>>) target_semaphore(%arg24 : memref<!tpu.dma_semaphore, #tpu.memory_space<semaphore_mem>>)
      } else {
      }
      %mul3A_1009 = arith.constant 16 : i32
      %mul3A_1010 = arith.muli %scan3A_324, %mul3A_1009 : i32
      %add3A_1011 = arith.constant 13 : i32
      %add3A_1012 = arith.addi %mul3A_1010, %add3A_1011 : i32
      %dma_wait3A_1013 = arith.constant 13 : i32
      %dma_wait3A_1014 = arith.constant 0 : i32
      %dma_wait3A_1015 = arith.constant 0 : i32
      %dma_wait3A_1016 = tpu.memref_slice %arg10[%dma_wait3A_1013, %dma_wait3A_1014, %dma_wait3A_1015] : memref<16x16x128xf32, #tpu.memory_space<vmem>> -> memref<1x16x128xf32, #tpu.memory_space<vmem>>
      %dma_wait3A_1017 = tpu.memref_squeeze %dma_wait3A_1016 : memref<1x16x128xf32, #tpu.memory_space<vmem>> -> memref<16x128xf32, #tpu.memory_space<vmem>>
      %dma_wait3A_1018 = arith.constant 0 : i32
      %dma_wait3A_1019 = arith.constant 0 : i32
      %dma_wait3A_1020 = tpu.memref_slice %arg4[%dma_wait3A_1018, %dma_wait3A_1019] : memref<16x1000000xf32, #tpu.memory_space<hbm>> -> memref<16x128xf32, #tpu.memory_space<hbm>>
      %dma_wait3A_1021 = arith.constant 0 : i32
      %dma_wait3A_1022 = arith.constant 0 : i32
      %dma_wait3A_1023 = tpu.memref_slice %arg10[%dma_wait3A_1013, %dma_wait3A_1021, %dma_wait3A_1022] : memref<16x16x128xf32, #tpu.memory_space<vmem>> -> memref<1x16x128xf32, #tpu.memory_space<vmem>>
      %dma_wait3A_1024 = tpu.memref_squeeze %dma_wait3A_1023 : memref<1x16x128xf32, #tpu.memory_space<vmem>> -> memref<16x128xf32, #tpu.memory_space<vmem>>
      %dma_wait3A_1025 = arith.constant 0 : i32
      %dma_wait3A_1026 = arith.constant 0 : i32
      %dma_wait3A_1027 = tpu.memref_slice %arg4[%dma_wait3A_1025, %dma_wait3A_1026] : memref<16x1000000xf32, #tpu.memory_space<hbm>> -> memref<16x128xf32, #tpu.memory_space<hbm>>
      tpu.wait_dma2 semaphore(%arg25 : memref<!tpu.dma_semaphore, #tpu.memory_space<semaphore_mem>>) src(%dma_wait3A_1027 : memref<16x128xf32, #tpu.memory_space<hbm>>) dst(%dma_wait3A_1024 : memref<16x128xf32, #tpu.memory_space<vmem>>)
      %slice3A_1028 = vector.extract_strided_slice %get3A_473 {offsets = [13], sizes = [1], strides = [1]} : vector<16xi32> to vector<1xi32>
      %squeeze3A_1029 = vector.extract %slice3A_1028[0] : i32 from vector<1xi32>
      %and3A_1030 = arith.constant 127 : i32
      %and3A_1031 = arith.andi %squeeze3A_1029, %and3A_1030 : i32
      %broadcast_in_dim3A_1032 = vector.broadcast %and3A_1031 : i32 to vector<16xi32>
      %gather3A_1033 = arith.constant 13 : i32
      %gather3A_1034 = arith.constant 0 : i32
      %gather3A_1035 = arith.constant 0 : i32
      %gather3A_1036 = tpu.memref_slice %arg10[%gather3A_1033, %gather3A_1034, %gather3A_1035] : memref<16x16x128xf32, #tpu.memory_space<vmem>> -> memref<1x16x128xf32, #tpu.memory_space<vmem>>
      %gather3A_1037 = tpu.memref_squeeze %gather3A_1036 : memref<1x16x128xf32, #tpu.memory_space<vmem>> -> memref<16x128xf32, #tpu.memory_space<vmem>>
      %gather3A_1038 = tpu.vector_load_idx %gather3A_1037[%iota3A, %broadcast_in_dim3A_1032] : memref<16x128xf32, #tpu.memory_space<vmem>>[vector<16xi32>, vector<16xi32>], vector<16xf32>,
      %broadcast_in_dim3A_1039 = arith.constant 0 : i32
      %broadcast_in_dim3A_1040 = vector.broadcast %broadcast_in_dim3A_1039 : i32 to vector<16xi32>
      %add3A_1041 = vector.broadcast %add3A_1012 : i32 to vector<16xi32>
      %add3A_1042 = arith.addi %broadcast_in_dim3A_1040, %add3A_1041 : vector<16xi32>
      tpu.vector_store_idx %arg11[%iota3A, %add3A_1042], %gather3A_1038 : memref<32x512xf32, #tpu.memory_space<vmem>>[vector<16xi32>, vector<16xi32>], vector<16xf32>,
      %add3A_1043 = arith.constant 1 : i32
      %add3A_1044 = arith.addi %scan3A_324, %add3A_1043 : i32
      %lt3A_1045 = arith.constant 32 : i32
      %lt3A_1046 = arith.cmpi slt, %add3A_1044, %lt3A_1045 : i32
      %convert_element_type3A_1047 = arith.extui %lt3A_1046 : i1 to i32
      %cond3A_1048 = arith.constant 0 : i32
      %cond3A_1049 = arith.cmpi ne, %convert_element_type3A_1047, %cond3A_1048 : i32
      scf.if %cond3A_1049 {
        %slice3A_1132 = vector.extract_strided_slice %get3A_480 {offsets = [13], sizes = [1], strides = [1]} : vector<16xi32> to vector<1xi32>
        %squeeze3A_1133 = vector.extract %slice3A_1132[0] : i32 from vector<1xi32>
        %shift_right_arithmetic3A_1134 = arith.constant 7 : i32
        %shift_right_arithmetic3A_1135 = arith.shrsi %squeeze3A_1133, %shift_right_arithmetic3A_1134 : i32
        %mul3A_1136 = arith.constant 128 : i32
        %mul3A_1137 = arith.muli %shift_right_arithmetic3A_1135, %mul3A_1136 : i32
        %multiple_of3A_1138 = tpu.assume_multiple %mul3A_1137, 128 : i32
        %dma_start3A_1139 = arith.constant 13 : i32
        %dma_start3A_1140 = arith.constant 0 : i32
        %dma_start3A_1141 = arith.constant 0 : i32
        %dma_start3A_1142 = tpu.memref_slice %arg10[%dma_start3A_1139, %dma_start3A_1140, %dma_start3A_1141] : memref<16x16x128xf32, #tpu.memory_space<vmem>> -> memref<1x16x128xf32, #tpu.memory_space<vmem>>
        %dma_start3A_1143 = tpu.memref_squeeze %dma_start3A_1142 : memref<1x16x128xf32, #tpu.memory_space<vmem>> -> memref<16x128xf32, #tpu.memory_space<vmem>>
        %dma_start3A_1144 = arith.constant 0 : i32
        %dma_start3A_1145 = tpu.memref_slice %arg4[%dma_start3A_1144, %multiple_of3A_1138] : memref<16x1000000xf32, #tpu.memory_space<hbm>> -> memref<16x128xf32, #tpu.memory_space<hbm>>
        %dma_start3A_1146 = arith.constant 0 : i32
        %dma_start3A_1147 = arith.constant 0 : i32
        %dma_start3A_1148 = tpu.memref_slice %arg10[%dma_start3A_1139, %dma_start3A_1146, %dma_start3A_1147] : memref<16x16x128xf32, #tpu.memory_space<vmem>> -> memref<1x16x128xf32, #tpu.memory_space<vmem>>
        %dma_start3A_1149 = tpu.memref_squeeze %dma_start3A_1148 : memref<1x16x128xf32, #tpu.memory_space<vmem>> -> memref<16x128xf32, #tpu.memory_space<vmem>>
        %dma_start3A_1150 = arith.constant 0 : i32
        %dma_start3A_1151 = tpu.memref_slice %arg4[%dma_start3A_1150, %multiple_of3A_1138] : memref<16x1000000xf32, #tpu.memory_space<hbm>> -> memref<16x128xf32, #tpu.memory_space<hbm>>
        tpu.enqueue_dma source(%dma_start3A_1151 : memref<16x128xf32, #tpu.memory_space<hbm>>) target(%dma_start3A_1149 : memref<16x128xf32, #tpu.memory_space<vmem>>) target_semaphore(%arg25 : memref<!tpu.dma_semaphore, #tpu.memory_space<semaphore_mem>>)
      } else {
      }
      %mul3A_1050 = arith.constant 16 : i32
      %mul3A_1051 = arith.muli %scan3A_324, %mul3A_1050 : i32
      %add3A_1052 = arith.constant 14 : i32
      %add3A_1053 = arith.addi %mul3A_1051, %add3A_1052 : i32
      %dma_wait3A_1054 = arith.constant 14 : i32
      %dma_wait3A_1055 = arith.constant 0 : i32
      %dma_wait3A_1056 = arith.constant 0 : i32
      %dma_wait3A_1057 = tpu.memref_slice %arg10[%dma_wait3A_1054, %dma_wait3A_1055, %dma_wait3A_1056] : memref<16x16x128xf32, #tpu.memory_space<vmem>> -> memref<1x16x128xf32, #tpu.memory_space<vmem>>
      %dma_wait3A_1058 = tpu.memref_squeeze %dma_wait3A_1057 : memref<1x16x128xf32, #tpu.memory_space<vmem>> -> memref<16x128xf32, #tpu.memory_space<vmem>>
      %dma_wait3A_1059 = arith.constant 0 : i32
      %dma_wait3A_1060 = arith.constant 0 : i32
      %dma_wait3A_1061 = tpu.memref_slice %arg4[%dma_wait3A_1059, %dma_wait3A_1060] : memref<16x1000000xf32, #tpu.memory_space<hbm>> -> memref<16x128xf32, #tpu.memory_space<hbm>>
      %dma_wait3A_1062 = arith.constant 0 : i32
      %dma_wait3A_1063 = arith.constant 0 : i32
      %dma_wait3A_1064 = tpu.memref_slice %arg10[%dma_wait3A_1054, %dma_wait3A_1062, %dma_wait3A_1063] : memref<16x16x128xf32, #tpu.memory_space<vmem>> -> memref<1x16x128xf32, #tpu.memory_space<vmem>>
      %dma_wait3A_1065 = tpu.memref_squeeze %dma_wait3A_1064 : memref<1x16x128xf32, #tpu.memory_space<vmem>> -> memref<16x128xf32, #tpu.memory_space<vmem>>
      %dma_wait3A_1066 = arith.constant 0 : i32
      %dma_wait3A_1067 = arith.constant 0 : i32
      %dma_wait3A_1068 = tpu.memref_slice %arg4[%dma_wait3A_1066, %dma_wait3A_1067] : memref<16x1000000xf32, #tpu.memory_space<hbm>> -> memref<16x128xf32, #tpu.memory_space<hbm>>
      tpu.wait_dma2 semaphore(%arg26 : memref<!tpu.dma_semaphore, #tpu.memory_space<semaphore_mem>>) src(%dma_wait3A_1068 : memref<16x128xf32, #tpu.memory_space<hbm>>) dst(%dma_wait3A_1065 : memref<16x128xf32, #tpu.memory_space<vmem>>)
      %slice3A_1069 = vector.extract_strided_slice %get3A_473 {offsets = [14], sizes = [1], strides = [1]} : vector<16xi32> to vector<1xi32>
      %squeeze3A_1070 = vector.extract %slice3A_1069[0] : i32 from vector<1xi32>
      %and3A_1071 = arith.constant 127 : i32
      %and3A_1072 = arith.andi %squeeze3A_1070, %and3A_1071 : i32
      %broadcast_in_dim3A_1073 = vector.broadcast %and3A_1072 : i32 to vector<16xi32>
      %gather3A_1074 = arith.constant 14 : i32
      %gather3A_1075 = arith.constant 0 : i32
      %gather3A_1076 = arith.constant 0 : i32
      %gather3A_1077 = tpu.memref_slice %arg10[%gather3A_1074, %gather3A_1075, %gather3A_1076] : memref<16x16x128xf32, #tpu.memory_space<vmem>> -> memref<1x16x128xf32, #tpu.memory_space<vmem>>
      %gather3A_1078 = tpu.memref_squeeze %gather3A_1077 : memref<1x16x128xf32, #tpu.memory_space<vmem>> -> memref<16x128xf32, #tpu.memory_space<vmem>>
      %gather3A_1079 = tpu.vector_load_idx %gather3A_1078[%iota3A, %broadcast_in_dim3A_1073] : memref<16x128xf32, #tpu.memory_space<vmem>>[vector<16xi32>, vector<16xi32>], vector<16xf32>,
      %broadcast_in_dim3A_1080 = arith.constant 0 : i32
      %broadcast_in_dim3A_1081 = vector.broadcast %broadcast_in_dim3A_1080 : i32 to vector<16xi32>
      %add3A_1082 = vector.broadcast %add3A_1053 : i32 to vector<16xi32>
      %add3A_1083 = arith.addi %broadcast_in_dim3A_1081, %add3A_1082 : vector<16xi32>
      tpu.vector_store_idx %arg11[%iota3A, %add3A_1083], %gather3A_1079 : memref<32x512xf32, #tpu.memory_space<vmem>>[vector<16xi32>, vector<16xi32>], vector<16xf32>,
      %add3A_1084 = arith.constant 1 : i32
      %add3A_1085 = arith.addi %scan3A_324, %add3A_1084 : i32
      %lt3A_1086 = arith.constant 32 : i32
      %lt3A_1087 = arith.cmpi slt, %add3A_1085, %lt3A_1086 : i32
      %convert_element_type3A_1088 = arith.extui %lt3A_1087 : i1 to i32
      %cond3A_1089 = arith.constant 0 : i32
      %cond3A_1090 = arith.cmpi ne, %convert_element_type3A_1088, %cond3A_1089 : i32
      scf.if %cond3A_1090 {
        %slice3A_1132 = vector.extract_strided_slice %get3A_480 {offsets = [14], sizes = [1], strides = [1]} : vector<16xi32> to vector<1xi32>
        %squeeze3A_1133 = vector.extract %slice3A_1132[0] : i32 from vector<1xi32>
        %shift_right_arithmetic3A_1134 = arith.constant 7 : i32
        %shift_right_arithmetic3A_1135 = arith.shrsi %squeeze3A_1133, %shift_right_arithmetic3A_1134 : i32
        %mul3A_1136 = arith.constant 128 : i32
        %mul3A_1137 = arith.muli %shift_right_arithmetic3A_1135, %mul3A_1136 : i32
        %multiple_of3A_1138 = tpu.assume_multiple %mul3A_1137, 128 : i32
        %dma_start3A_1139 = arith.constant 14 : i32
        %dma_start3A_1140 = arith.constant 0 : i32
        %dma_start3A_1141 = arith.constant 0 : i32
        %dma_start3A_1142 = tpu.memref_slice %arg10[%dma_start3A_1139, %dma_start3A_1140, %dma_start3A_1141] : memref<16x16x128xf32, #tpu.memory_space<vmem>> -> memref<1x16x128xf32, #tpu.memory_space<vmem>>
        %dma_start3A_1143 = tpu.memref_squeeze %dma_start3A_1142 : memref<1x16x128xf32, #tpu.memory_space<vmem>> -> memref<16x128xf32, #tpu.memory_space<vmem>>
        %dma_start3A_1144 = arith.constant 0 : i32
        %dma_start3A_1145 = tpu.memref_slice %arg4[%dma_start3A_1144, %multiple_of3A_1138] : memref<16x1000000xf32, #tpu.memory_space<hbm>> -> memref<16x128xf32, #tpu.memory_space<hbm>>
        %dma_start3A_1146 = arith.constant 0 : i32
        %dma_start3A_1147 = arith.constant 0 : i32
        %dma_start3A_1148 = tpu.memref_slice %arg10[%dma_start3A_1139, %dma_start3A_1146, %dma_start3A_1147] : memref<16x16x128xf32, #tpu.memory_space<vmem>> -> memref<1x16x128xf32, #tpu.memory_space<vmem>>
        %dma_start3A_1149 = tpu.memref_squeeze %dma_start3A_1148 : memref<1x16x128xf32, #tpu.memory_space<vmem>> -> memref<16x128xf32, #tpu.memory_space<vmem>>
        %dma_start3A_1150 = arith.constant 0 : i32
        %dma_start3A_1151 = tpu.memref_slice %arg4[%dma_start3A_1150, %multiple_of3A_1138] : memref<16x1000000xf32, #tpu.memory_space<hbm>> -> memref<16x128xf32, #tpu.memory_space<hbm>>
        tpu.enqueue_dma source(%dma_start3A_1151 : memref<16x128xf32, #tpu.memory_space<hbm>>) target(%dma_start3A_1149 : memref<16x128xf32, #tpu.memory_space<vmem>>) target_semaphore(%arg26 : memref<!tpu.dma_semaphore, #tpu.memory_space<semaphore_mem>>)
      } else {
      }
      %mul3A_1091 = arith.constant 16 : i32
      %mul3A_1092 = arith.muli %scan3A_324, %mul3A_1091 : i32
      %add3A_1093 = arith.constant 15 : i32
      %add3A_1094 = arith.addi %mul3A_1092, %add3A_1093 : i32
      %dma_wait3A_1095 = arith.constant 15 : i32
      %dma_wait3A_1096 = arith.constant 0 : i32
      %dma_wait3A_1097 = arith.constant 0 : i32
      %dma_wait3A_1098 = tpu.memref_slice %arg10[%dma_wait3A_1095, %dma_wait3A_1096, %dma_wait3A_1097] : memref<16x16x128xf32, #tpu.memory_space<vmem>> -> memref<1x16x128xf32, #tpu.memory_space<vmem>>
      %dma_wait3A_1099 = tpu.memref_squeeze %dma_wait3A_1098 : memref<1x16x128xf32, #tpu.memory_space<vmem>> -> memref<16x128xf32, #tpu.memory_space<vmem>>
      %dma_wait3A_1100 = arith.constant 0 : i32
      %dma_wait3A_1101 = arith.constant 0 : i32
      %dma_wait3A_1102 = tpu.memref_slice %arg4[%dma_wait3A_1100, %dma_wait3A_1101] : memref<16x1000000xf32, #tpu.memory_space<hbm>> -> memref<16x128xf32, #tpu.memory_space<hbm>>
      %dma_wait3A_1103 = arith.constant 0 : i32
      %dma_wait3A_1104 = arith.constant 0 : i32
      %dma_wait3A_1105 = tpu.memref_slice %arg10[%dma_wait3A_1095, %dma_wait3A_1103, %dma_wait3A_1104] : memref<16x16x128xf32, #tpu.memory_space<vmem>> -> memref<1x16x128xf32, #tpu.memory_space<vmem>>
      %dma_wait3A_1106 = tpu.memref_squeeze %dma_wait3A_1105 : memref<1x16x128xf32, #tpu.memory_space<vmem>> -> memref<16x128xf32, #tpu.memory_space<vmem>>
      %dma_wait3A_1107 = arith.constant 0 : i32
      %dma_wait3A_1108 = arith.constant 0 : i32
      %dma_wait3A_1109 = tpu.memref_slice %arg4[%dma_wait3A_1107, %dma_wait3A_1108] : memref<16x1000000xf32, #tpu.memory_space<hbm>> -> memref<16x128xf32, #tpu.memory_space<hbm>>
      tpu.wait_dma2 semaphore(%arg27 : memref<!tpu.dma_semaphore, #tpu.memory_space<semaphore_mem>>) src(%dma_wait3A_1109 : memref<16x128xf32, #tpu.memory_space<hbm>>) dst(%dma_wait3A_1106 : memref<16x128xf32, #tpu.memory_space<vmem>>)
      %slice3A_1110 = vector.extract_strided_slice %get3A_473 {offsets = [15], sizes = [1], strides = [1]} : vector<16xi32> to vector<1xi32>
      %squeeze3A_1111 = vector.extract %slice3A_1110[0] : i32 from vector<1xi32>
      %and3A_1112 = arith.constant 127 : i32
      %and3A_1113 = arith.andi %squeeze3A_1111, %and3A_1112 : i32
      %broadcast_in_dim3A_1114 = vector.broadcast %and3A_1113 : i32 to vector<16xi32>
      %gather3A_1115 = arith.constant 15 : i32
      %gather3A_1116 = arith.constant 0 : i32
      %gather3A_1117 = arith.constant 0 : i32
      %gather3A_1118 = tpu.memref_slice %arg10[%gather3A_1115, %gather3A_1116, %gather3A_1117] : memref<16x16x128xf32, #tpu.memory_space<vmem>> -> memref<1x16x128xf32, #tpu.memory_space<vmem>>
      %gather3A_1119 = tpu.memref_squeeze %gather3A_1118 : memref<1x16x128xf32, #tpu.memory_space<vmem>> -> memref<16x128xf32, #tpu.memory_space<vmem>>
      %gather3A_1120 = tpu.vector_load_idx %gather3A_1119[%iota3A, %broadcast_in_dim3A_1114] : memref<16x128xf32, #tpu.memory_space<vmem>>[vector<16xi32>, vector<16xi32>], vector<16xf32>,
      %broadcast_in_dim3A_1121 = arith.constant 0 : i32
      %broadcast_in_dim3A_1122 = vector.broadcast %broadcast_in_dim3A_1121 : i32 to vector<16xi32>
      %add3A_1123 = vector.broadcast %add3A_1094 : i32 to vector<16xi32>
      %add3A_1124 = arith.addi %broadcast_in_dim3A_1122, %add3A_1123 : vector<16xi32>
      tpu.vector_store_idx %arg11[%iota3A, %add3A_1124], %gather3A_1120 : memref<32x512xf32, #tpu.memory_space<vmem>>[vector<16xi32>, vector<16xi32>], vector<16xf32>,
      %add3A_1125 = arith.constant 1 : i32
      %add3A_1126 = arith.addi %scan3A_324, %add3A_1125 : i32
      %lt3A_1127 = arith.constant 32 : i32
      %lt3A_1128 = arith.cmpi slt, %add3A_1126, %lt3A_1127 : i32
      %convert_element_type3A_1129 = arith.extui %lt3A_1128 : i1 to i32
      %cond3A_1130 = arith.constant 0 : i32
      %cond3A_1131 = arith.cmpi ne, %convert_element_type3A_1129, %cond3A_1130 : i32
      scf.if %cond3A_1131 {
        %slice3A_1132 = vector.extract_strided_slice %get3A_480 {offsets = [15], sizes = [1], strides = [1]} : vector<16xi32> to vector<1xi32>
        %squeeze3A_1133 = vector.extract %slice3A_1132[0] : i32 from vector<1xi32>
        %shift_right_arithmetic3A_1134 = arith.constant 7 : i32
        %shift_right_arithmetic3A_1135 = arith.shrsi %squeeze3A_1133, %shift_right_arithmetic3A_1134 : i32
        %mul3A_1136 = arith.constant 128 : i32
        %mul3A_1137 = arith.muli %shift_right_arithmetic3A_1135, %mul3A_1136 : i32
        %multiple_of3A_1138 = tpu.assume_multiple %mul3A_1137, 128 : i32
        %dma_start3A_1139 = arith.constant 15 : i32
        %dma_start3A_1140 = arith.constant 0 : i32
        %dma_start3A_1141 = arith.constant 0 : i32
        %dma_start3A_1142 = tpu.memref_slice %arg10[%dma_start3A_1139, %dma_start3A_1140, %dma_start3A_1141] : memref<16x16x128xf32, #tpu.memory_space<vmem>> -> memref<1x16x128xf32, #tpu.memory_space<vmem>>
        %dma_start3A_1143 = tpu.memref_squeeze %dma_start3A_1142 : memref<1x16x128xf32, #tpu.memory_space<vmem>> -> memref<16x128xf32, #tpu.memory_space<vmem>>
        %dma_start3A_1144 = arith.constant 0 : i32
        %dma_start3A_1145 = tpu.memref_slice %arg4[%dma_start3A_1144, %multiple_of3A_1138] : memref<16x1000000xf32, #tpu.memory_space<hbm>> -> memref<16x128xf32, #tpu.memory_space<hbm>>
        %dma_start3A_1146 = arith.constant 0 : i32
        %dma_start3A_1147 = arith.constant 0 : i32
        %dma_start3A_1148 = tpu.memref_slice %arg10[%dma_start3A_1139, %dma_start3A_1146, %dma_start3A_1147] : memref<16x16x128xf32, #tpu.memory_space<vmem>> -> memref<1x16x128xf32, #tpu.memory_space<vmem>>
        %dma_start3A_1149 = tpu.memref_squeeze %dma_start3A_1148 : memref<1x16x128xf32, #tpu.memory_space<vmem>> -> memref<16x128xf32, #tpu.memory_space<vmem>>
        %dma_start3A_1150 = arith.constant 0 : i32
        %dma_start3A_1151 = tpu.memref_slice %arg4[%dma_start3A_1150, %multiple_of3A_1138] : memref<16x1000000xf32, #tpu.memory_space<hbm>> -> memref<16x128xf32, #tpu.memory_space<hbm>>
        tpu.enqueue_dma source(%dma_start3A_1151 : memref<16x128xf32, #tpu.memory_space<hbm>>) target(%dma_start3A_1149 : memref<16x128xf32, #tpu.memory_space<vmem>>) target_semaphore(%arg27 : memref<!tpu.dma_semaphore, #tpu.memory_space<semaphore_mem>>)
      } else {
      }
    }
    %scan3A_323 = arith.constant 32 : i32
    "tpu.region"() ({
      %run_scoped3A = tpu.sem_alloc : memref<!tpu.dma_semaphore, #tpu.memory_space<semaphore_mem>>
      %dma_start3A_324 = arith.constant 0 : i32
      %dma_start3A_325 = tpu.memref_slice %arg6[%dma_start3A_324, %mul3A_2] : memref<32x16384xf32, #tpu.memory_space<hbm>> -> memref<32x512xf32, #tpu.memory_space<hbm>>
      %dma_start3A_326 = arith.constant 0 : i32
      %dma_start3A_327 = tpu.memref_slice %arg6[%dma_start3A_326, %mul3A_2] : memref<32x16384xf32, #tpu.memory_space<hbm>> -> memref<32x512xf32, #tpu.memory_space<hbm>>
      tpu.enqueue_dma source(%arg11 : memref<32x512xf32, #tpu.memory_space<vmem>>) target(%dma_start3A_327 : memref<32x512xf32, #tpu.memory_space<hbm>>) target_semaphore(%run_scoped3A : memref<!tpu.dma_semaphore, #tpu.memory_space<semaphore_mem>>)
      %dma_wait3A = arith.constant 0 : i32
      %dma_wait3A_328 = tpu.memref_slice %arg6[%dma_wait3A, %mul3A_2] : memref<32x16384xf32, #tpu.memory_space<hbm>> -> memref<32x512xf32, #tpu.memory_space<hbm>>
      %dma_wait3A_329 = arith.constant 0 : i32
      %dma_wait3A_330 = tpu.memref_slice %arg6[%dma_wait3A_329, %mul3A_2] : memref<32x16384xf32, #tpu.memory_space<hbm>> -> memref<32x512xf32, #tpu.memory_space<hbm>>
      tpu.wait_dma2 semaphore(%run_scoped3A : memref<!tpu.dma_semaphore, #tpu.memory_space<semaphore_mem>>) src(%arg11 : memref<32x512xf32, #tpu.memory_space<vmem>>) dst(%dma_wait3A_330 : memref<32x512xf32, #tpu.memory_space<hbm>>)
      tpu.yield
    }) : () -> ()
    return
  }
}

</mosaic_0001>

<sc_bundles>
// kernel: kernel.3.cloned.1.call-start
scs
__scs_entry_jumppad:
0x0: {  	(pc) =	sbr.rel $0x88, $3  }
0x1: {  	(tag) =	ssettag $0x0;
	lr =	simm.s32 $0x1  }
0x2: {  	[smem:$0x3F9D] =	sst lr;
	_ =	strace $0xD0000000  }
0x3: {  	_ = 	snop  }
0x4: {  	_ = 	snop  }
0x5: {  	_ = 	snop  }
0x6: {  	_ = 	snop  }
0x7: {  	_ = 	snop  }
__scs_overlays_trampoline_lowered:
0x8: {  	[smem:$0x3FAC] =	sst s0  }
0x9: {  	[smem:$0x3FAD] =	sst s1  }
0xa: {  	[smem:$0x3FAE] =	sst s2  }
0xb: {  	[smem:$0x3FAF] =	sst s3  }
0xc: {  	[smem:$0x3FB0] =	sst s4  }
0xd: {  	[smem:$0x3FB1] =	sst s5  }
0xe: {  	[smem:$0x3FB2] =	sst s6  }
0xf: {  	[smem:$0x3FB3] =	sst s7  }
0x10: {  	[smem:$0x3FB4] =	sst s8  }
0x11: {  	[smem:$0x3FB5] =	sst s9;
	s0 =	simm.s32 @!p0 $0x0  }
0x12: {  	s1 =	sld [smem:$0x3F9B];
	s0 =	simm.s32 @p0 $0x1  }
0x13: {  	[smem:$0x3FB6] =	sst s0;
	s0 =	simm.s32 @!p1 $0x0  }
0x14: {  	s2 =	sld [smem:$0x3F9A];
	s0 =	simm.s32 @p1 $0x1  }
0x15: {  	[smem:$0x3FB7] =	sst s0;
	s0 =	simm.s32 @!p2 $0x0  }
0x16: {  	s3 =	sld [smem:$0x3FDB];
	s0 =	simm.s32 @p2 $0x1  }
0x17: {  	s4 =	simm.s32 $0x1BF5;
	[smem:$0x3FB9] =	sst s0  }
0x18: {  	s0 =	sld [smem:$0x3F9C];
	_ =	swait.ge [sflag:s4], $0x0  }
0x19: {  	s7 =	sld [smem:$0x3F9D]  }
0x1a: {  	s8 =	sadd.s32 $0xFFFFE003, lr  }
0x1b: {  	s9 =	sadd.s32 $0xFFFFFEF7, lr;
	s5 =	simm.s32 $0xFFFFFFFF;
	p2 =	slt.u32 s8, $0xFFFFF086  }
0x1c: {  	p1 =	slt.u32 s9, $0xF7A;
	s5 =	simm.s32 @!p2 $0x0  }
0x1d: {  	s5 =	simm.s32 @p1 $0x1;
	p0 =	seq.s32 s7, s2  }
0x1e: {  	s7 =	smul.u32 @!p0 $0xF7A, s2;
	p2 =	seq.s32 @!p0 s5, $0x0  }
0x1f: {  	s9 =	smul.u32 $0xF7A, s1;
	s8 =	simm.s32 @!p0 $0x1BF5;
	p2 =	por !p2, p0  }
0x20: {  	[sflag:s8] =	ssyncset.s32 @!p0 $0xFFFFF086;
	s6 =	sadd.s32 @!p0 s3, s7;
	s7 =	simm.s32 @!p0 $0x108  }
0x21: {  	s3 =	sadd.s32 s3, s9;
	s6 =	sadd.s32 @!p0 $0x88, s6;
	s7 =	simm.s32 @p2 $0x1082  }
0x22: {  	[simem:s7], [sflag:s8] =	dma.local @!p0 [hbm:s6], $0xF7A  }
0x23: {  	s9 =	sor.u32 $0xD0000000, s2;
	s6 =	simm.s32 $0x108;
	_ =	swait.ge @!p0 [sflag:s8], $0x0  }
0x24: {  	s3 =	sadd.s32 $0x88, s3;
	s6 =	simm.s32 @!p1 $0x1082;
	[sflag:s4] =	ssyncset.s32 $0xFFFFF086  }
0x25: {  	[simem:s6], [sflag:s4] =	dma.local [hbm:s3], $0xF7A  }
0x26: {  	[smem:$0x3F9D] =	sst s1;
	(tag) =	ssettag s2;
	_ =	strace s9  }
0x27: {  	s1 =	sld [smem:$0x3FAD]  }
0x28: {  	s2 =	sld [smem:$0x3FAE]  }
0x29: {  	s4 =	sld [smem:$0x3FB0]  }
0x2a: {  	p0 =	seq.s32 s5, $0x0;
	s5 =	sld [smem:$0x3FB1]  }
0x2b: {  	s6 =	sld [smem:$0x3FB2]  }
0x2c: {  	s7 =	sld [smem:$0x3FB3]  }
0x2d: {  	s3 =	simm.s32 $0x108;
	s8 =	sld [smem:$0x3FB4]  }
0x2e: {  	s3 =	simm.s32 @!p0 $0x1082;
	s9 =	sld [smem:$0x3FB5]  }
0x2f: {  	lr =	sadd.s32 s0, s3;
	s0 =	sld [smem:$0x3FAC]  }
0x30: {  	s3 =	sld [smem:$0x3FAF]  }
0x31: {  	[smem:$0x3FB8] =	sst s10  }
0x32: {  	s10 =	sld [smem:$0x3FB6];
	_ =	sdelay $0x3  }
0x33: {  	p0 =	seq.s32 s10, $0x1;
	s10 =	sld [smem:$0x3FB8];
	_ =	sdelay $0x3  }
0x34: {  	[smem:$0x3FB8] =	sst s10  }
0x35: {  	s10 =	sld [smem:$0x3FB7];
	_ =	sdelay $0x3  }
0x36: {  	p1 =	seq.s32 s10, $0x1;
	s10 =	sld [smem:$0x3FB8];
	_ =	sdelay $0x3  }
0x37: {  	[smem:$0x3FB8] =	sst s10  }
0x38: {  	s10 =	sld [smem:$0x3FB9]  }
0x39: {  	_ = 	snop;
	(pc) =	sbr.ind lr, $3  }
0x3a: {  	_ = 	snop  }
0x3b: {  	_ = 	snop  }
0x3c: {  	p2 =	seq.s32 s10, $0x1;
	s10 =	sld [smem:$0x3FB8]  }
0x3d: {  	_ =	shalt  }
0x3e: {  	_ =	shalt  }
0x3f: {  	_ =	shalt  }
0x40: {  	_ =	shalt  }
0x41: {  	_ =	shalt  }
0x42: {  	_ =	shalt  }
0x43: {  	_ =	shalt  }
0x44: {  	_ =	shalt  }
0x45: {  	_ =	shalt  }
0x46: {  	_ =	shalt  }
0x47: {  	_ =	shalt  }
0x48: {  	_ =	shalt  }
0x49: {  	_ =	shalt  }
0x4a: {  	_ =	shalt  }
0x4b: {  	_ =	shalt  }
0x4c: {  	_ =	shalt  }
0x4d: {  	_ =	shalt  }
0x4e: {  	_ =	shalt  }
0x4f: {  	_ =	shalt  }
0x50: {  	_ =	shalt  }
0x51: {  	_ =	shalt  }
0x52: {  	_ =	shalt  }
0x53: {  	_ =	shalt  }
0x54: {  	_ =	shalt  }
0x55: {  	_ =	shalt  }
0x56: {  	_ =	shalt  }
0x57: {  	_ =	shalt  }
0x58: {  	_ =	shalt  }
0x59: {  	_ =	shalt  }
0x5a: {  	_ =	shalt  }
0x5b: {  	_ =	shalt  }
0x5c: {  	_ =	shalt  }
0x5d: {  	_ =	shalt  }
0x5e: {  	_ =	shalt  }
0x5f: {  	_ =	shalt  }
0x60: {  	_ =	shalt  }
0x61: {  	_ =	shalt  }
0x62: {  	_ =	shalt  }
0x63: {  	_ =	shalt  }
0x64: {  	_ =	shalt  }
0x65: {  	_ =	shalt  }
0x66: {  	_ =	shalt  }
0x67: {  	_ =	shalt  }
0x68: {  	_ =	shalt  }
0x69: {  	_ =	shalt  }
0x6a: {  	_ =	shalt  }
0x6b: {  	_ =	shalt  }
0x6c: {  	_ =	shalt  }
0x6d: {  	_ =	shalt  }
0x6e: {  	_ =	shalt  }
0x6f: {  	_ =	shalt  }
0x70: {  	_ =	shalt  }
0x71: {  	_ =	shalt  }
0x72: {  	_ =	shalt  }
0x73: {  	_ =	shalt  }
0x74: {  	_ =	shalt  }
0x75: {  	_ =	shalt  }
0x76: {  	_ =	shalt  }
0x77: {  	_ =	shalt  }
0x78: {  	_ =	shalt  }
0x79: {  	_ =	shalt  }
0x7a: {  	_ =	shalt  }
0x7b: {  	_ =	shalt  }
0x7c: {  	_ =	shalt  }
0x7d: {  	_ =	shalt  }
0x7e: {  	_ =	shalt  }
0x7f: {  	_ =	shalt  }
0x80: {  	_ =	shalt  }
0x81: {  	_ =	shalt  }
0x82: {  	_ =	shalt  }
0x83: {  	_ =	shalt  }
0x84: {  	_ =	shalt  }
0x85: {  	_ =	shalt  }
0x86: {  	_ =	shalt  }
0x87: {  	_ =	shalt  }
.Lfunc_end0:
.L_simem_size_0:
called_computation_lowered:
.L_overlay_start_0:
0x88: {  	s2 =	sld [smem:$0x3FD9]  }
0x89: {  	s3 =	sld [smem:$0x3FFE];
	_ =	sdelay $0x1  }
0x8a: {  	s1 =	srdreg.scid  }
0x8b: {  	s0 =	sand.u32 $0x1, s1  }
0x8c: {  	s18 =	sshll.u32 s0, $0xA;
	s2 =	sadd.s32 s3, s2  }
0x8d: {  	s2 =	sadd.s32 s2, s18  }
0x8e: {  	[smem:$0x3FC4] =	sst s2  }
0x8f: {  	_ = 	snop  }
0x90: {  	s2 =	sld [smem:$0x3FC9]  }
0x91: {  	s19 =	sld [smem:$0x3FC8]  }
0x92: {  	s4 =	sld [smem:$0x3FC7]  }
0x93: {  	s5 =	sld [smem:$0x3FC6]  }
0x94: {  	s6 =	sld [smem:$0x3FD0];
	(tm) =	ssettm $0x1  }
0x95: {  	s7 =	sld [smem:$0x3FFB];
	_ =	sdelay $0x3  }
0x96: {  	_ =	strace s7  }
0x97: {  	s7 =	sld [smem:$0x3FFC];
	_ =	sdelay $0x3  }
0x98: {  	_ =	strace s7  }
0x99: {  	s7 =	sld [smem:$0x3FFD];
	_ =	sdelay $0x3  }
0x9a: {  	_ =	strace s7  }
0x9b: {  	_ =	strace $0x8FFFFFFF  }
0x9c: {  	s20 =	sld [smem:$0x3FDB];
	_ =	sdelay $0x1  }
0x9d: {  	s8 =	simm.s32 $_scs_section_size  }
0x9e: {  	s9 =	simm.s32 $_size__tile_overlayer_lowered;
	s10 =	simm.s32 $_tile_overlayer_lowered  }
0x9f: {  	s23 =	simm.s32 $0x1BFF;
	s22 =	sshll.u32 s10, $0x1;
	s7 =	sadd.s32 s8, s20  }
0xa0: {  	s11 =	simm.s32 $0x0;
	s21 =	sshll.u32 s9, $0x1;
	s9 =	sadd.s32 s22, s7  }
0xa1: {  	[timem:s11], [sflag:s23] =	dma.local [hbm:s9], s21  }
0xa2: {  	_ =	swait.ge [sflag:s23], s21  }
0xa3: {  	s8 =	ssub.s32 $0x0, s21;
	[sflag:s23] =	ssyncset.done $0x0  }
0xa4: {  	[sflag:s23] =	ssyncadd.s32 s8;
	_ =	sdelay $0x1  }
0xa5: {  	s24 =	simm.s32 $0x1B8B  }
0xa6: {  	_ =	swait.ge [sflag:s24], $0x1  }
0xa7: {  	[sflag:s24] =	ssyncset.done $0x0  }
0xa8: {  	s25 =	simm.s32 $0x1B8E;
	[sflag:s24] =	ssyncadd.s32 $0xFFFFFFFF  }
0xa9: {  	s26 =	simm.s32 $execute0_lowered;
	[smem:$0x3FD2] =	sst s25  }
0xaa: {  	s8 =	sshll.u32 s26, $0x1;
	_ =	strace $0x80000046;
	[dreg:$0x1] =	wrdreg $0xFFFFFFFF  }
0xab: {  	s28 =	simm.s32 $_size_execute0_lowered;
	s7 =	sadd.s32 s7, s8;
	[dreg:$0x0] =	wrdreg $0x0  }
0xac: {  	s8 =	sshll.u32 s28, $0x1;
	[dreg:$0x2] =	wrdreg s7  }
0xad: {  	[dreg:$0x3] =	wrdreg s8  }
0xae: {  	[dreg:$0x4] =	wrdreg $0xC0  }
0xaf: {  	_ =	task [dreg:s11], $0x5FFFF  }
0xb0: {  	[dreg:$0x1] =	wrdreg $0xFFFFFFFF  }
0xb1: {  	[dreg:$0x0] =	wrdreg $0x60  }
0xb2: {  	[dreg:$0x2] =	wrdreg s2  }
0xb3: {  	[dreg:$0x3] =	wrdreg s19  }
0xb4: {  	[dreg:$0x4] =	wrdreg s4  }
0xb5: {  	[dreg:$0x5] =	wrdreg s5  }
0xb6: {  	[dreg:$0x6] =	wrdreg s6  }
0xb7: {  	[dreg:$0x7] =	wrdreg $0x9  }
0xb8: {  	_ =	task.clear_ibuf [dreg:s11], $0x8FFFF;
	_ =	strace $0x90000046  }
0xb9: {  	s29 =	simm.s32 $0x9;
	_ =	strace $0x80000048  }
0xba: {  	_ =	swait.ge [sflag:s29], $0x1  }
0xbb: {  	[sflag:s29] =	ssyncadd.s32 $0xFFFFFFFF  }
0xbc: {  	_ =	strace $0x90000048  }
0xbd: {  	_ =	sfence  }
0xbe: {  	s30 =	sld [smem:$0x0];
	_ =	sdelay $0x2  }
0xbf: {  	s31 =	sshll.u32 s1, $0xD;
	s1 =	sshrl.u32 s1, $0x2  }
0xc0: {  	s3 =	sand.u32 $0x4000, s31;
	s1 =	sadd.s32 s1, s30  }
0xc1: {  	s0 =	sor.u32 s3, s0;
	s1 =	sshll.u32 s1, $0x11  }
0xc2: {  	s0 =	sor.u32 s1, s0  }
0xc3: {  	s0 =	sadd.s32 $0x8F2B, s0  }
0xc4: {  	[sflag:s0] =	ssyncadd.remote.s32 $0x1  }
0xc5: {  	_ =	sfence.sel $0xFFFF  }
0xc6: {  	[dreg:$0x0] =	wrdreg $0xFFFFFFFF;
	(pc) =	sbr.abs _section_cstart, $3  }
0xc7: {  	[dreg:$0x1] =	wrdreg $0xFFFFFFFF  }
0xc8: {  	_ =	task.clear_ibuf [dreg:s11], $0x2FFFF;
	_ =	strace $0x9FFFFFFF  }
0xc9: {  	(tm) =	ssettm $0x7FFFFFFF  }
tec
execute0_lowered:
.L_overlay_start_1:
0x0: {  	(tag) =	ssettag $0x1  }
0x1: {  	s0 =	rddreg [dreg:$0x0]  }
0x2: {  	s2 =	rddreg [dreg:$0x1]  }
0x3: {  	s1 =	rddreg [dreg:$0x2]  }
0x4: {  	s3 =	rddreg [dreg:$0x4];
	s4 =	srdreg.scid  }
0x5: {  	s5 =	stileid.u32;
	s7 =	simm.s32 $0x0;
	v0 =	vimm.s32 $0x1380;
	vm0 =	vcmask $0x300;
	s9 =	simm.s32 $0x400  }
0x6: {  	vm14 =	vcmask $0x704;
	s19 =	simm.s32 $0x12;
	s20 =	simm.s32 $0x4C00;
	s21 =	simm.s32 $0x5400;
	v0 =	vsel vm0, $0x0, v0  }
0x7: {  	vm15 =	vcmask $0xB08;
	s28 =	simm.s32 $0x7C00;
	s30 =	simm.s32 $0x1;
	s31 =	simm.s32 $0xC400;
	v0 =	vsel vm14, $0x80, v0  }
0x8: {  	vm4 =	vcmask $0xF0C;
	s8 =	simm.s32 $0x8;
	s29 =	simm.s32 $0xA;
	s10 =	simm.s32 $0xB;
	v0 =	vsel vm15, $0x100, v0  }
0x9: {  	vm5 =	vcmask $0x1310;
	s11 =	simm.s32 $0xC;
	s12 =	simm.s32 $0xD;
	s13 =	simm.s32 $0xE;
	v0 =	vsel vm4, $0x180, v0  }
0xa: {  	vm6 =	vcmask $0x1714;
	s14 =	simm.s32 $0xF;
	s15 =	simm.s32 $0x10;
	s17 =	simm.s32 $0x0;
	v0 =	vsel vm5, $0x200, v0  }
0xb: {  	vm7 =	vcmask $0x1B18;
	s4 =	sand.u32 $0x1, s4;
	s5 =	sshll.u32 s5, $0xA;
	[smem:$0x7FF] =	sst s7;
	v0 =	vsel vm6, $0x280, v0  }
0xc: {  	vm8 =	vcmask $0x1F1C;
	s7 =	simm.s32 $0x7;
	s6 =	sshll.u32 s4, $0x9;
	s4 =	ssub.s32 $0x2, s4;
	v0 =	vsel vm7, $0x300, v0  }
0xd: {  	vm9 =	vcmask $0x2320;
	_ =	strace $0x80000047;
	s5 =	sor.u32 s6, s5;
	s22 =	sshrl.u32 s4, $0x1;
	v0 =	vsel vm8, $0x380, v0  }
0xe: {  	vm10 =	vcmask $0x2724;
	s6 =	simm.s32 $0x6;
	s23 =	sshrl.u32 s5, $0x3;
	s4 =	ssub.s32 s4, s22;
	v0 =	vsel vm9, $0x1000, v0  }
0xf: {  	vm11 =	vcmask $0x2B28;
	s25 =	sadd.s32 s3, s5;
	s22 =	simm.s32 $0x5C00;
	s3 =	simm.s32 $0x4;
	v0 =	vsel vm10, $0x1080, v0  }
0x10: {  	vm12 =	vcmask $0x2F2C;
	s5 =	simm.s32 $0x5;
	s0 =	sadd.s32 s0, s23;
	[dreg:$0x8] =	wrdreg s25;
	v0 =	vsel vm11, $0x1100, v0  }
0x11: {  	vm13 =	vcmask $0x3330;
	s24 =	sadd.s32 s2, s23;
	s26 =	smax.u32 s4, $0x1;
	[dreg:$0x6] =	wrdreg s0;
	v0 =	vsel vm12, $0x1180, v0  }
0x12: {  	vm14 =	vcmask $0x3734;
	s23 =	simm.s32 $0x6400;
	s25 =	simm.s32 $0x6C00;
	[dreg:$0x7] =	wrdreg s24;
	v0 =	vsel vm13, $0x1200, v0  }
0x13: {  	v1 =	vlaneseq.u32;
	vm15 =	vcmask $0x3B38;
	s2 =	simm.s32 $0x3;
	s4 =	simm.s32 $0x9;
	[dreg:$0x9] =	wrdreg s26;
	v2 =	vsel vm14, $0x1280, v0  }
0x14: {  	s24 =	simm.s32 $0x4400;
	s26 =	simm.s32 $0x7400;
	s0 =	simm.s32 $0x2;
	v0 =	vmul.u32 $0x80, v1;
	v1 =	vsel vm15, $0x1300, v2  }
.LBB2_1:
0x15: {  	[dreg:$0xa] =	wrdreg s17  }
0x16: {  	s16 =	rddreg [dreg:$0x3];
	s17 =	simm.s32 $0x0  }
0x17: {  	[tilespmem:s9], [sflag:$0x11] =	stream.linear.gather [hbm4b:s16+s17], $0x4000, $0x38;
	[tilespmem:$0x10400] =	vst v63  }
0x18: {  	s18 =	rddreg [dreg:$0x6]  }
0x19: {  	[tilespmem:s17], [sflag:$0x12] =	stream.linear.gather [hbm4b:s18+s17], $0x200, $0x38;
	[tilespmem:$0x10400] =	vst v63  }
0x1a: {  	_ =	swait.ge [sflag:s19], $0x200  }
0x1b: {  	[sflag:s19] =	ssyncset.done $0x0  }
0x1c: {  	s16 =	simm.s32 $0x200;
	s18 =	rddreg [dreg:$0x7];
	[sflag:s19] =	ssyncadd.s32 $0xFFFFFE00  }
0x1d: {  	[tilespmem:s16], [sflag:$0x12] =	stream.linear.gather [hbm4b:s18+s17], $0x200, $0x38;
	[tilespmem:$0x10400] =	vst v63  }
0x1e: {  	_ =	swait.ge [sflag:s19], $0x200  }
0x1f: {  	[sflag:s19] =	ssyncset.done $0x0  }
0x20: {  	[sflag:s19] =	ssyncadd.s32 $0xFFFFFE00  }
0x21: {  	v2 =	vld [tilespmem:$0x0];
	_ =	sdelay $0x4  }
0x22: {  	(v2sf) =	vpush v2, $0x0;
	_ =	sdelay $0x1  }
0x23: {  	(v2sf) =	vpush v2, $0x1;
	_ =	sdelay $0x4  }
0x24: {  	(v2sf) =	vpush v2, $0x2;
	_ =	sdelay $0x3  }
0x25: {  	(v2sf) =	vpush v2, $0x3;
	_ =	sdelay $0x3  }
0x26: {  	s19 =	spop (v2sf)  }
0x27: {  	(v2sf) =	vpush v2, $0x4;
	s17 =	sand.u32 $0xFFFFF80, s19  }
0x28: {  	s19 =	simm.s32 $0x7A1400;
	s18 =	spop (v2sf);
	(v2sf) =	vpush v2, $0x5;
	s17 =	sadd.s32 s1, s17  }
0x29: {  	[tilespmem:s24], [sflag:$0x1] =	stream.strided.gather [hbm4b:s17+s9], $0x800, s19, s9, $0x38;
	[tilespmem:$0x10400] =	vst v63  }
0x2a: {  	s17 =	sand.u32 $0xFFFFF80, s18  }
0x2b: {  	s17 =	sadd.s32 s1, s17  }
0x2c: {  	[tilespmem:s20], [sflag:$0x2] =	stream.strided.gather [hbm4b:s17+s9], $0x800, s19, s9, $0x38;
	[tilespmem:$0x10400] =	vst v63  }
0x2d: {  	s20 =	spop (v2sf)  }
0x2e: {  	(v2sf) =	vpush v2, $0x6;
	s17 =	sand.u32 $0xFFFFF80, s20  }
0x2f: {  	s17 =	sadd.s32 s1, s17  }
0x30: {  	[tilespmem:s21], [sflag:$0x3] =	stream.strided.gather [hbm4b:s17+s9], $0x800, s19, s9, $0x38;
	[tilespmem:$0x10400] =	vst v63  }
0x31: {  	s21 =	spop (v2sf);
	(v2sf) =	vpush v2, $0x7;
	_ =	sdelay $0x1  }
0x32: {  	s17 =	sand.u32 $0xFFFFF80, s21  }
0x33: {  	s17 =	sadd.s32 s1, s17  }
0x34: {  	[tilespmem:s22], [sflag:$0x4] =	stream.strided.gather [hbm4b:s17+s9], $0x800, s19, s9, $0x38;
	[tilespmem:$0x10400] =	vst v63  }
0x35: {  	s22 =	spop (v2sf);
	(v2sf) =	vpush v2, $0x8  }
0x36: {  	s18 =	spop (v2sf);
	(v2sf) =	vpush v2, $0x9;
	_ =	sdelay $0x1  }
0x37: {  	s17 =	sand.u32 $0xFFFFF80, s22  }
0x38: {  	s17 =	sadd.s32 s1, s17;
	(v2sf) =	vpush v2, $0xA  }
0x39: {  	[tilespmem:s23], [sflag:$0x5] =	stream.strided.gather [hbm4b:s17+s9], $0x800, s19, s9, $0x38;
	[tilespmem:$0x10400] =	vst v63  }
0x3a: {  	s17 =	sand.u32 $0xFFFFF80, s18  }
0x3b: {  	s20 =	spop (v2sf);
	(v2sf) =	vpush v2, $0xB;
	s17 =	sadd.s32 s1, s17  }
0x3c: {  	[tilespmem:s25], [sflag:$0x6] =	stream.strided.gather [hbm4b:s17+s9], $0x800, s19, s9, $0x38;
	[tilespmem:$0x10400] =	vst v63  }
0x3d: {  	s17 =	sand.u32 $0xFFFFF80, s20  }
0x3e: {  	s17 =	sadd.s32 s1, s17;
	s21 =	spop (v2sf);
	(v2sf) =	vpush v2, $0xC  }
0x3f: {  	[tilespmem:s26], [sflag:$0x7] =	stream.strided.gather [hbm4b:s17+s9], $0x800, s19, s9, $0x38;
	[tilespmem:$0x10400] =	vst v63  }
0x40: {  	s17 =	sand.u32 $0xFFFFF80, s21  }
0x41: {  	s17 =	sadd.s32 s1, s17  }
0x42: {  	[tilespmem:s28], [sflag:$0x8] =	stream.strided.gather [hbm4b:s17+s9], $0x800, s19, s9, $0x38;
	[tilespmem:$0x10400] =	vst v63  }
0x43: {  	s22 =	spop (v2sf);
	(v2sf) =	vpush v2, $0xD  }
0x44: {  	s17 =	sand.u32 $0xFFFFF80, s22;
	s25 =	spop (v2sf);
	(v2sf) =	vpush v2, $0xE  }
0x45: {  	s23 =	simm.s32 $0x8400;
	s17 =	sadd.s32 s1, s17  }
0x46: {  	[tilespmem:s23], [sflag:$0x9] =	stream.strided.gather [hbm4b:s17+s9], $0x800, s19, s9, $0x38;
	[tilespmem:$0x10400] =	vst v63  }
0x47: {  	s20 =	spop (v2sf);
	(v2sf) =	vpush v2, $0xF;
	s17 =	sand.u32 $0xFFFFF80, s25  }
0x48: {  	s26 =	simm.s32 $0x8C00;
	s17 =	sadd.s32 s1, s17  }
0x49: {  	[tilespmem:s26], [sflag:$0xA] =	stream.strided.gather [hbm4b:s17+s9], $0x800, s19, s9, $0x38;
	[tilespmem:$0x10400] =	vst v63  }
0x4a: {  	s21 =	spop (v2sf);
	s17 =	sand.u32 $0xFFFFF80, s20  }
0x4b: {  	s22 =	simm.s32 $0x9400;
	s23 =	sand.u32 $0xFFFFF80, s21;
	s17 =	sadd.s32 s1, s17  }
0x4c: {  	[tilespmem:s22], [sflag:$0xB] =	stream.strided.gather [hbm4b:s17+s9], $0x800, s19, s9, $0x38;
	[tilespmem:$0x10400] =	vst v63  }
0x4d: {  	s26 =	simm.s32 $0x9C00;
	s17 =	sadd.s32 s1, s23;
	s25 =	spop (v2sf)  }
0x4e: {  	[tilespmem:s26], [sflag:$0xC] =	stream.strided.gather [hbm4b:s17+s9], $0x800, s19, s9, $0x38;
	[tilespmem:$0x10400] =	vst v63  }
0x4f: {  	s20 =	sand.u32 $0xFFFFF80, s25  }
0x50: {  	s22 =	simm.s32 $0xA400;
	s17 =	sadd.s32 s1, s20  }
0x51: {  	[tilespmem:s22], [sflag:$0xD] =	stream.strided.gather [hbm4b:s17+s9], $0x800, s19, s9, $0x38;
	[tilespmem:$0x10400] =	vst v63  }
0x52: {  	s21 =	spop (v2sf)  }
0x53: {  	s23 =	sand.u32 $0xFFFFF80, s21;
	s25 =	spop (v2sf)  }
0x54: {  	s26 =	simm.s32 $0xAC00;
	s17 =	sadd.s32 s1, s23;
	s21 =	sand.u32 $0xFFFFF80, s25  }
0x55: {  	[tilespmem:s26], [sflag:$0xE] =	stream.strided.gather [hbm4b:s17+s9], $0x800, s19, s9, $0x38;
	[tilespmem:$0x10400] =	vst v63  }
0x56: {  	s22 =	spop (v2sf);
	s17 =	sadd.s32 s1, s21;
	s26 =	simm.s32 $0xB400  }
0x57: {  	[tilespmem:s26], [sflag:$0xF] =	stream.strided.gather [hbm4b:s17+s9], $0x800, s19, s9, $0x38;
	[tilespmem:$0x10400] =	vst v63  }
0x58: {  	s17 =	sand.u32 $0xFFFFF80, s22  }
0x59: {  	s25 =	simm.s32 $0xBC00;
	s23 =	simm.s32 $0x11;
	s17 =	sadd.s32 s1, s17  }
0x5a: {  	[tilespmem:s25], [sflag:$0x10] =	stream.strided.gather [hbm4b:s17+s9], $0x800, s19, s9, $0x38;
	[tilespmem:$0x10400] =	vst v63  }
0x5b: {  	s18 =	simm.s32 $0x0;
	_ =	swait.ge [sflag:s23], $0x4000  }
0x5c: {  	s28 =	simm.s32 $0x7400;
	s20 =	simm.s32 $0xF;
	[sflag:s23] =	ssyncset.done $0x0  }
0x5d: {  	s17 =	simm.s32 $0x0;
	s19 =	simm.s32 $0x1;
	[sflag:s23] =	ssyncadd.s32 $0xFFFFC000  }
.LBB2_2:
0x5e: {  	v2 =	vld [tilespmem:s16+$0x0];
	_ =	sdelay $0x4  }
0x5f: {  	v3 =	vshll.u32 v2, $0x3  }
0x60: {  	v2 =	vand.u32 $0x7F, v2;
	v3 =	vand.u32 $0xFFFFFC00, v3  }
0x61: {  	v2 =	vor.u32 v2, v3;
	_ =	sdelay $0x4  }
0x62: {  	v3 =	vld.idx.msk [tilespmem:v2+s9+$0x0], $0xffff  }
0x63: {  	v4 =	vor.u32 $0x80, v2  }
0x64: {  	s21 =	sadd.s32 $0xFFFFFFF1, s20  }
0x65: {  	s23 =	sand.u32 $0xC00, s18;
	s22 =	sand.u32 $0x70, s21  }
0x66: {  	s22 =	sor.u32 s22, s23  }
0x67: {  	[tilespmem:s22+$0xE400] =	vst v3  }
0x68: {  	v3 =	vld.idx.msk [tilespmem:v4+s9+$0x0], $0xffff  }
0x69: {  	v63 =	vor.u32 $0x100, v2;
	_ =	sdelay $0x3  }
0x6a: {  	[tilespmem:s22+$0xE480] =	vst v3  }
0x6b: {  	v3 =	vld.idx.msk [tilespmem:v63+s9+$0x0], $0xffff  }
0x6c: {  	v8 =	vor.u32 $0x180, v2;
	_ =	sdelay $0x3  }
0x6d: {  	[tilespmem:s22+$0xE500] =	vst v3  }
0x6e: {  	v3 =	vld.idx.msk [tilespmem:v8+s9+$0x0], $0xffff  }
0x6f: {  	v9 =	vor.u32 $0x200, v2;
	_ =	sdelay $0x3  }
0x70: {  	[tilespmem:s22+$0xE580] =	vst v3  }
0x71: {  	v3 =	vld.idx.msk [tilespmem:v9+s9+$0x0], $0xffff  }
0x72: {  	v10 =	vor.u32 $0x280, v2;
	_ =	sdelay $0x3  }
0x73: {  	[tilespmem:s22+$0xE600] =	vst v3  }
0x74: {  	v3 =	vld.idx.msk [tilespmem:v10+s9+$0x0], $0xffff  }
0x75: {  	v11 =	vor.u32 $0x300, v2;
	_ =	sdelay $0x3  }
0x76: {  	[tilespmem:s22+$0xE680] =	vst v3  }
0x77: {  	v3 =	vld.idx.msk [tilespmem:v11+s9+$0x0], $0xffff  }
0x78: {  	v12 =	vor.u32 $0x380, v2;
	_ =	sdelay $0x3  }
0x79: {  	[tilespmem:s22+$0xE700] =	vst v3  }
0x7a: {  	v3 =	vld.idx.msk [tilespmem:v12+s9+$0x0], $0xffff  }
0x7b: {  	v13 =	vadd.s32 $0x2000, v2;
	_ =	sdelay $0x3  }
0x7c: {  	[tilespmem:s22+$0xE780] =	vst v3  }
0x7d: {  	v3 =	vld.idx.msk [tilespmem:v13+s9+$0x0], $0xffff  }
0x7e: {  	v14 =	vadd.s32 $0x2080, v2;
	_ =	sdelay $0x3  }
0x7f: {  	[tilespmem:s22+$0xF400] =	vst v3  }
0x80: {  	v3 =	vld.idx.msk [tilespmem:v14+s9+$0x0], $0xffff  }
0x81: {  	v15 =	vadd.s32 $0x2100, v2;
	_ =	sdelay $0x3  }
0x82: {  	[tilespmem:s22+$0xF480] =	vst v3  }
0x83: {  	v3 =	vld.idx.msk [tilespmem:v15+s9+$0x0], $0xffff  }
0x84: {  	v16 =	vadd.s32 $0x2180, v2;
	_ =	sdelay $0x3  }
0x85: {  	[tilespmem:s22+$0xF500] =	vst v3  }
0x86: {  	v3 =	vld.idx.msk [tilespmem:v16+s9+$0x0], $0xffff  }
0x87: {  	v17 =	vadd.s32 $0x2200, v2;
	_ =	sdelay $0x3  }
0x88: {  	[tilespmem:s22+$0xF580] =	vst v3  }
0x89: {  	v3 =	vld.idx.msk [tilespmem:v17+s9+$0x0], $0xffff  }
0x8a: {  	v18 =	vadd.s32 $0x2280, v2;
	_ =	sdelay $0x3  }
0x8b: {  	[tilespmem:s22+$0xF600] =	vst v3  }
0x8c: {  	v3 =	vld.idx.msk [tilespmem:v18+s9+$0x0], $0xffff  }
0x8d: {  	v19 =	vadd.s32 $0x2300, v2;
	_ =	sdelay $0x3  }
0x8e: {  	[tilespmem:s22+$0xF680] =	vst v3  }
0x8f: {  	v3 =	vld.idx.msk [tilespmem:v19+s9+$0x0], $0xffff  }
0x90: {  	v2 =	vadd.s32 $0x2380, v2;
	_ =	sdelay $0x3  }
0x91: {  	[tilespmem:s22+$0xF700] =	vst v3  }
0x92: {  	v2 =	vld.idx.msk [tilespmem:v2+s9+$0x0], $0xffff;
	_ =	sdelay $0x4  }
0x93: {  	[tilespmem:s22+$0xF780] =	vst v2  }
0x94: {  	v2 =	vld [tilespmem:s17+$0x0];
	_ =	sdelay $0x1  }
0x95: {  	s23 =	smin.u32 s19, $0x1F  }
0x96: {  	s22 =	sshll.u32 s23, $0x4  }
0x97: {  	v3 =	vld [tilespmem:s22+$0x0];
	_ =	swait.ge [sflag:s30], $0x800  }
0x98: {  	(v2sf) =	vpush v2, $0x0;
	_ =	sdelay $0x8  }
0x99: {  	p0 =	seq.s32 s20, $0x1FF  }
0x9a: {  	(v2sf) =	vpush @!p0 v3, $0x0;
	_ =	sdelay $0x4  }
0x9b: {  	s23 =	spop (v2sf)  }
0x9c: {  	s22 =	sand.u32 $0x7F, s23  }
0x9d: {  	v20 =	vor.u32 s22, v0  }
0x9e: {  	v5 =	vmov s21  }
0x9f: {  	v6 =	vshll.u32 v5, $0x3  }
0xa0: {  	v5 =	vand.u32 $0x70, v5;
	v6 =	vand.u32 $0xC00, v6;
	[sflag:s30] =	ssyncset.done $0x0  }
0xa1: {  	v5 =	vor.u32 v6, v5;
	[sflag:s30] =	ssyncadd.s32 $0xFFFFF800  }
0xa2: {  	v5 =	vor.u32 v1, v5;
	v4 =	vld.idx.msk [tilespmem:v20+s24+$0x0], $0xffff;
	_ =	sdelay $0x2  }
0xa3: {  	s21 =	spop @!p0 (v2sf)  }
0xa4: {  	s21 =	sand.u32 @!p0 $0xFFFFF80, s21;
	s22 =	simm.s32 @!p0 $0x7A1400  }
0xa5: {  	s23 =	sadd.s32 @!p0 s1, s21;
	s21 =	simm.s32 @!p0 $0x400;
	s24 =	simm.s32 @!p0 $0x4400;
	[tilespmem:v5+s31+$0x0] =	vst.idx.msk $0xffff, v4  }
0xa6: {  	[tilespmem:s24], [sflag:$0x1] =	stream.strided.gather @!p0 [hbm4b:s23+s21], $0x800, s22, s21, $0x38;
	[tilespmem:$0x10400] =	vst v63  }
0xa7: {  	_ =	swait.ge [sflag:s0], $0x800  }
0xa8: {  	(v2sf) =	vpush v2, $0x1;
	_ =	sdelay $0x9  }
0xa9: {  	(v2sf) =	vpush @!p0 v3, $0x1;
	_ =	sdelay $0x4  }
0xaa: {  	s24 =	spop (v2sf)  }
0xab: {  	s23 =	sand.u32 $0x7F, s24  }
0xac: {  	s24 =	sadd.s32 $0xFFFFFFF2, s20;
	v21 =	vor.u32 s23, v0  }
0xad: {  	v22 =	vmov s24  }
0xae: {  	v23 =	vshll.u32 v22, $0x3  }
0xaf: {  	[sflag:s0] =	ssyncset.done $0x0;
	v5 =	vand.u32 $0x71, v22;
	v6 =	vand.u32 $0xC00, v23  }
0xb0: {  	[sflag:s0] =	ssyncadd.s32 $0xFFFFF800;
	s24 =	simm.s32 $0x4C00;
	v5 =	vor.u32 v6, v5  }
0xb1: {  	v5 =	vor.u32 v1, v5;
	v4 =	vld.idx.msk [tilespmem:v21+s24+$0x0], $0xffff;
	_ =	sdelay $0x2  }
0xb2: {  	s23 =	spop @!p0 (v2sf)  }
0xb3: {  	s23 =	sand.u32 @!p0 $0xFFFFF80, s23  }
0xb4: {  	s23 =	sadd.s32 @!p0 s1, s23;
	s24 =	simm.s32 @!p0 $0x4C00;
	[tilespmem:v5+s31+$0x0] =	vst.idx.msk $0xffff, v4  }
0xb5: {  	[tilespmem:s24], [sflag:$0x2] =	stream.strided.gather @!p0 [hbm4b:s23+s21], $0x800, s22, s21, $0x38;
	[tilespmem:$0x10400] =	vst v63  }
0xb6: {  	_ =	swait.ge [sflag:s2], $0x800  }
0xb7: {  	(v2sf) =	vpush v2, $0x2;
	_ =	sdelay $0x9  }
0xb8: {  	(v2sf) =	vpush @!p0 v3, $0x2;
	_ =	sdelay $0x4  }
0xb9: {  	s24 =	spop (v2sf)  }
0xba: {  	s23 =	sand.u32 $0x7F, s24  }
0xbb: {  	s24 =	sadd.s32 $0xFFFFFFF3, s20;
	v24 =	vor.u32 s23, v0  }
0xbc: {  	v25 =	vmov s24  }
0xbd: {  	v26 =	vshll.u32 v25, $0x3  }
0xbe: {  	[sflag:s2] =	ssyncset.done $0x0;
	v5 =	vand.u32 $0x72, v25;
	v6 =	vand.u32 $0xC00, v26  }
0xbf: {  	[sflag:s2] =	ssyncadd.s32 $0xFFFFF800;
	s24 =	simm.s32 $0x5400;
	v5 =	vor.u32 v6, v5  }
0xc0: {  	v5 =	vor.u32 v1, v5;
	v4 =	vld.idx.msk [tilespmem:v24+s24+$0x0], $0xffff;
	_ =	sdelay $0x2  }
0xc1: {  	s23 =	spop @!p0 (v2sf)  }
0xc2: {  	s23 =	sand.u32 @!p0 $0xFFFFF80, s23  }
0xc3: {  	s23 =	sadd.s32 @!p0 s1, s23;
	s24 =	simm.s32 @!p0 $0x5400;
	[tilespmem:v5+s31+$0x0] =	vst.idx.msk $0xffff, v4  }
0xc4: {  	[tilespmem:s24], [sflag:$0x3] =	stream.strided.gather @!p0 [hbm4b:s23+s21], $0x800, s22, s21, $0x38;
	[tilespmem:$0x10400] =	vst v63  }
0xc5: {  	_ =	swait.ge [sflag:s3], $0x800  }
0xc6: {  	(v2sf) =	vpush v2, $0x3;
	_ =	sdelay $0x9  }
0xc7: {  	(v2sf) =	vpush @!p0 v3, $0x3;
	_ =	sdelay $0x4  }
0xc8: {  	s24 =	spop (v2sf)  }
0xc9: {  	s23 =	sand.u32 $0x7F, s24  }
0xca: {  	s24 =	sadd.s32 $0xFFFFFFF4, s20;
	v27 =	vor.u32 s23, v0  }
0xcb: {  	v28 =	vmov s24  }
0xcc: {  	v29 =	vshll.u32 v28, $0x3  }
0xcd: {  	[sflag:s3] =	ssyncset.done $0x0;
	v5 =	vand.u32 $0x73, v28;
	v6 =	vand.u32 $0xC00, v29  }
0xce: {  	[sflag:s3] =	ssyncadd.s32 $0xFFFFF800;
	s24 =	simm.s32 $0x5C00;
	v5 =	vor.u32 v6, v5  }
0xcf: {  	v5 =	vor.u32 v1, v5;
	v4 =	vld.idx.msk [tilespmem:v27+s24+$0x0], $0xffff;
	_ =	sdelay $0x2  }
0xd0: {  	s23 =	spop @!p0 (v2sf)  }
0xd1: {  	s23 =	sand.u32 @!p0 $0xFFFFF80, s23  }
0xd2: {  	s23 =	sadd.s32 @!p0 s1, s23;
	s24 =	simm.s32 @!p0 $0x5C00;
	[tilespmem:v5+s31+$0x0] =	vst.idx.msk $0xffff, v4  }
0xd3: {  	[tilespmem:s24], [sflag:$0x4] =	stream.strided.gather @!p0 [hbm4b:s23+s21], $0x800, s22, s21, $0x38;
	[tilespmem:$0x10400] =	vst v63  }
0xd4: {  	_ =	swait.ge [sflag:s5], $0x800  }
0xd5: {  	(v2sf) =	vpush v2, $0x4;
	_ =	sdelay $0x9  }
0xd6: {  	(v2sf) =	vpush @!p0 v3, $0x4;
	_ =	sdelay $0x4  }
0xd7: {  	s24 =	spop (v2sf)  }
0xd8: {  	s23 =	sand.u32 $0x7F, s24  }
0xd9: {  	s24 =	sadd.s32 $0xFFFFFFF5, s20;
	v30 =	vor.u32 s23, v0  }
0xda: {  	v31 =	vmov s24  }
0xdb: {  	v32 =	vshll.u32 v31, $0x3  }
0xdc: {  	[sflag:s5] =	ssyncset.done $0x0;
	v5 =	vand.u32 $0x74, v31;
	v6 =	vand.u32 $0xC00, v32  }
0xdd: {  	[sflag:s5] =	ssyncadd.s32 $0xFFFFF800;
	s24 =	simm.s32 $0x6400;
	v5 =	vor.u32 v6, v5  }
0xde: {  	v5 =	vor.u32 v1, v5;
	v4 =	vld.idx.msk [tilespmem:v30+s24+$0x0], $0xffff;
	_ =	sdelay $0x2  }
0xdf: {  	s23 =	spop @!p0 (v2sf)  }
0xe0: {  	s23 =	sand.u32 @!p0 $0xFFFFF80, s23  }
0xe1: {  	s23 =	sadd.s32 @!p0 s1, s23;
	s24 =	simm.s32 @!p0 $0x6400;
	[tilespmem:v5+s31+$0x0] =	vst.idx.msk $0xffff, v4  }
0xe2: {  	[tilespmem:s24], [sflag:$0x5] =	stream.strided.gather @!p0 [hbm4b:s23+s21], $0x800, s22, s21, $0x38;
	[tilespmem:$0x10400] =	vst v63  }
0xe3: {  	_ =	swait.ge [sflag:s6], $0x800  }
0xe4: {  	(v2sf) =	vpush v2, $0x5;
	_ =	sdelay $0x9  }
0xe5: {  	(v2sf) =	vpush @!p0 v3, $0x5;
	_ =	sdelay $0x4  }
0xe6: {  	s24 =	spop (v2sf)  }
0xe7: {  	s23 =	sand.u32 $0x7F, s24  }
0xe8: {  	s24 =	sadd.s32 $0xFFFFFFF6, s20;
	v33 =	vor.u32 s23, v0  }
0xe9: {  	v34 =	vmov s24  }
0xea: {  	v35 =	vshll.u32 v34, $0x3  }
0xeb: {  	[sflag:s6] =	ssyncset.done $0x0;
	v5 =	vand.u32 $0x75, v34;
	v6 =	vand.u32 $0xC00, v35  }
0xec: {  	[sflag:s6] =	ssyncadd.s32 $0xFFFFF800;
	s24 =	simm.s32 $0x6C00;
	v5 =	vor.u32 v6, v5  }
0xed: {  	v5 =	vor.u32 v1, v5;
	v4 =	vld.idx.msk [tilespmem:v33+s24+$0x0], $0xffff;
	_ =	sdelay $0x2  }
0xee: {  	s23 =	spop @!p0 (v2sf)  }
0xef: {  	s23 =	sand.u32 @!p0 $0xFFFFF80, s23  }
0xf0: {  	s23 =	sadd.s32 @!p0 s1, s23;
	s24 =	simm.s32 @!p0 $0x6C00;
	[tilespmem:v5+s31+$0x0] =	vst.idx.msk $0xffff, v4  }
0xf1: {  	[tilespmem:s24], [sflag:$0x6] =	stream.strided.gather @!p0 [hbm4b:s23+s21], $0x800, s22, s21, $0x38;
	[tilespmem:$0x10400] =	vst v63  }
0xf2: {  	_ =	swait.ge [sflag:s7], $0x800  }
0xf3: {  	(v2sf) =	vpush v2, $0x6;
	_ =	sdelay $0x9  }
0xf4: {  	(v2sf) =	vpush @!p0 v3, $0x6;
	_ =	sdelay $0x4  }
0xf5: {  	s24 =	spop (v2sf)  }
0xf6: {  	s23 =	sand.u32 $0x7F, s24  }
0xf7: {  	s24 =	sadd.s32 $0xFFFFFFF7, s20;
	v36 =	vor.u32 s23, v0  }
0xf8: {  	v37 =	vmov s24  }
0xf9: {  	v38 =	vshll.u32 v37, $0x3  }
0xfa: {  	[sflag:s7] =	ssyncset.done $0x0;
	v5 =	vand.u32 $0x76, v37;
	v6 =	vand.u32 $0xC00, v38  }
0xfb: {  	[sflag:s7] =	ssyncadd.s32 $0xFFFFF800;
	v5 =	vor.u32 v6, v5  }
0xfc: {  	v5 =	vor.u32 v1, v5;
	v4 =	vld.idx.msk [tilespmem:v36+s28+$0x0], $0xffff;
	_ =	sdelay $0x2  }
0xfd: {  	s23 =	spop @!p0 (v2sf)  }
0xfe: {  	s23 =	sand.u32 @!p0 $0xFFFFF80, s23  }
0xff: {  	s24 =	simm.s32 @!p0 $0x7400;
	s23 =	sadd.s32 @!p0 s1, s23;
	[tilespmem:v5+s31+$0x0] =	vst.idx.msk $0xffff, v4  }
0x100: {  	[tilespmem:s24], [sflag:$0x7] =	stream.strided.gather @!p0 [hbm4b:s23+s21], $0x800, s22, s21, $0x38;
	[tilespmem:$0x10400] =	vst v63  }
0x101: {  	_ =	swait.ge [sflag:s8], $0x800  }
0x102: {  	(v2sf) =	vpush v2, $0x7;
	_ =	sdelay $0x9  }
0x103: {  	(v2sf) =	vpush @!p0 v3, $0x7;
	_ =	sdelay $0x4  }
0x104: {  	s24 =	spop (v2sf)  }
0x105: {  	s23 =	sand.u32 $0x7F, s24  }
0x106: {  	s24 =	sadd.s32 $0xFFFFFFF8, s20;
	v39 =	vor.u32 s23, v0  }
0x107: {  	v40 =	vmov s24  }
0x108: {  	v41 =	vshll.u32 v40, $0x3  }
0x109: {  	[sflag:s8] =	ssyncset.done $0x0;
	v5 =	vand.u32 $0x77, v40;
	v6 =	vand.u32 $0xC00, v41  }
0x10a: {  	[sflag:s8] =	ssyncadd.s32 $0xFFFFF800;
	s24 =	simm.s32 $0x7C00;
	v5 =	vor.u32 v6, v5  }
0x10b: {  	v5 =	vor.u32 v1, v5;
	v4 =	vld.idx.msk [tilespmem:v39+s24+$0x0], $0xffff;
	_ =	sdelay $0x2  }
0x10c: {  	s23 =	spop @!p0 (v2sf)  }
0x10d: {  	s23 =	sand.u32 @!p0 $0xFFFFF80, s23  }
0x10e: {  	s23 =	sadd.s32 @!p0 s1, s23;
	s24 =	simm.s32 @!p0 $0x7C00;
	[tilespmem:v5+s31+$0x0] =	vst.idx.msk $0xffff, v4  }
0x10f: {  	[tilespmem:s24], [sflag:$0x8] =	stream.strided.gather @!p0 [hbm4b:s23+s21], $0x800, s22, s21, $0x38;
	[tilespmem:$0x10400] =	vst v63  }
0x110: {  	_ =	swait.ge [sflag:s4], $0x800  }
0x111: {  	(v2sf) =	vpush v2, $0x8;
	_ =	sdelay $0x9  }
0x112: {  	(v2sf) =	vpush @!p0 v3, $0x8;
	_ =	sdelay $0x4  }
0x113: {  	s24 =	spop (v2sf)  }
0x114: {  	s23 =	sand.u32 $0x7F, s24  }
0x115: {  	s24 =	sadd.s32 $0xFFFFFFF9, s20;
	v42 =	vor.u32 s23, v0  }
0x116: {  	v43 =	vmov s24  }
0x117: {  	v44 =	vshll.u32 v43, $0x3  }
0x118: {  	[sflag:s4] =	ssyncset.done $0x0;
	v5 =	vand.u32 $0x78, v43;
	v6 =	vand.u32 $0xC00, v44  }
0x119: {  	[sflag:s4] =	ssyncadd.s32 $0xFFFFF800;
	s24 =	simm.s32 $0x8400;
	v5 =	vor.u32 v6, v5  }
0x11a: {  	v5 =	vor.u32 v1, v5;
	v4 =	vld.idx.msk [tilespmem:v42+s24+$0x0], $0xffff;
	_ =	sdelay $0x2  }
0x11b: {  	s23 =	spop @!p0 (v2sf)  }
0x11c: {  	s23 =	sand.u32 @!p0 $0xFFFFF80, s23  }
0x11d: {  	s23 =	sadd.s32 @!p0 s1, s23;
	s24 =	simm.s32 @!p0 $0x8400;
	[tilespmem:v5+s31+$0x0] =	vst.idx.msk $0xffff, v4  }
0x11e: {  	[tilespmem:s24], [sflag:$0x9] =	stream.strided.gather @!p0 [hbm4b:s23+s21], $0x800, s22, s21, $0x38;
	[tilespmem:$0x10400] =	vst v63  }
0x11f: {  	_ =	swait.ge [sflag:s29], $0x800  }
0x120: {  	(v2sf) =	vpush v2, $0x9;
	_ =	sdelay $0x9  }
0x121: {  	(v2sf) =	vpush @!p0 v3, $0x9;
	_ =	sdelay $0x4  }
0x122: {  	s24 =	spop (v2sf)  }
0x123: {  	s23 =	sand.u32 $0x7F, s24  }
0x124: {  	s24 =	sadd.s32 $0xFFFFFFFA, s20;
	v45 =	vor.u32 s23, v0  }
0x125: {  	v46 =	vmov s24  }
0x126: {  	v47 =	vshll.u32 v46, $0x3  }
0x127: {  	[sflag:s29] =	ssyncset.done $0x0;
	v5 =	vand.u32 $0x79, v46;
	v6 =	vand.u32 $0xC00, v47  }
0x128: {  	[sflag:s29] =	ssyncadd.s32 $0xFFFFF800;
	s24 =	simm.s32 $0x8C00;
	v5 =	vor.u32 v6, v5  }
0x129: {  	v5 =	vor.u32 v1, v5;
	v4 =	vld.idx.msk [tilespmem:v45+s24+$0x0], $0xffff;
	_ =	sdelay $0x2  }
0x12a: {  	s23 =	spop @!p0 (v2sf)  }
0x12b: {  	s23 =	sand.u32 @!p0 $0xFFFFF80, s23  }
0x12c: {  	s23 =	sadd.s32 @!p0 s1, s23;
	s24 =	simm.s32 @!p0 $0x8C00;
	[tilespmem:v5+s31+$0x0] =	vst.idx.msk $0xffff, v4  }
0x12d: {  	[tilespmem:s24], [sflag:$0xA] =	stream.strided.gather @!p0 [hbm4b:s23+s21], $0x800, s22, s21, $0x38;
	[tilespmem:$0x10400] =	vst v63  }
0x12e: {  	_ =	swait.ge [sflag:s10], $0x800  }
0x12f: {  	(v2sf) =	vpush v2, $0xA;
	_ =	sdelay $0x9  }
0x130: {  	(v2sf) =	vpush @!p0 v3, $0xA;
	_ =	sdelay $0x4  }
0x131: {  	s24 =	spop (v2sf)  }
0x132: {  	s23 =	sand.u32 $0x7F, s24  }
0x133: {  	s24 =	sadd.s32 $0xFFFFFFFB, s20;
	v48 =	vor.u32 s23, v0  }
0x134: {  	v49 =	vmov s24  }
0x135: {  	v50 =	vshll.u32 v49, $0x3  }
0x136: {  	[sflag:s10] =	ssyncset.done $0x0;
	v5 =	vand.u32 $0x7A, v49;
	v6 =	vand.u32 $0xC00, v50  }
0x137: {  	[sflag:s10] =	ssyncadd.s32 $0xFFFFF800;
	s24 =	simm.s32 $0x9400;
	v5 =	vor.u32 v6, v5  }
0x138: {  	v5 =	vor.u32 v1, v5;
	v4 =	vld.idx.msk [tilespmem:v48+s24+$0x0], $0xffff;
	_ =	sdelay $0x2  }
0x139: {  	s23 =	spop @!p0 (v2sf)  }
0x13a: {  	s23 =	sand.u32 @!p0 $0xFFFFF80, s23  }
0x13b: {  	s23 =	sadd.s32 @!p0 s1, s23;
	s24 =	simm.s32 @!p0 $0x9400;
	[tilespmem:v5+s31+$0x0] =	vst.idx.msk $0xffff, v4  }
0x13c: {  	[tilespmem:s24], [sflag:$0xB] =	stream.strided.gather @!p0 [hbm4b:s23+s21], $0x800, s22, s21, $0x38;
	[tilespmem:$0x10400] =	vst v63  }
0x13d: {  	_ =	swait.ge [sflag:s11], $0x800  }
0x13e: {  	(v2sf) =	vpush v2, $0xB;
	_ =	sdelay $0x9  }
0x13f: {  	(v2sf) =	vpush @!p0 v3, $0xB;
	_ =	sdelay $0x4  }
0x140: {  	s24 =	spop (v2sf)  }
0x141: {  	s23 =	sand.u32 $0x7F, s24  }
0x142: {  	s24 =	sadd.s32 $0xFFFFFFFC, s20;
	v51 =	vor.u32 s23, v0  }
0x143: {  	v52 =	vmov s24  }
0x144: {  	v53 =	vshll.u32 v52, $0x3  }
0x145: {  	[sflag:s11] =	ssyncset.done $0x0;
	v5 =	vand.u32 $0x7B, v52;
	v6 =	vand.u32 $0xC00, v53  }
0x146: {  	[sflag:s11] =	ssyncadd.s32 $0xFFFFF800;
	s24 =	simm.s32 $0x9C00;
	v5 =	vor.u32 v6, v5  }
0x147: {  	v5 =	vor.u32 v1, v5;
	v4 =	vld.idx.msk [tilespmem:v51+s24+$0x0], $0xffff;
	_ =	sdelay $0x2  }
0x148: {  	s23 =	spop @!p0 (v2sf)  }
0x149: {  	s23 =	sand.u32 @!p0 $0xFFFFF80, s23  }
0x14a: {  	s23 =	sadd.s32 @!p0 s1, s23;
	s24 =	simm.s32 @!p0 $0x9C00;
	[tilespmem:v5+s31+$0x0] =	vst.idx.msk $0xffff, v4  }
0x14b: {  	[tilespmem:s24], [sflag:$0xC] =	stream.strided.gather @!p0 [hbm4b:s23+s21], $0x800, s22, s21, $0x38;
	[tilespmem:$0x10400] =	vst v63  }
0x14c: {  	_ =	swait.ge [sflag:s12], $0x800  }
0x14d: {  	(v2sf) =	vpush v2, $0xC;
	_ =	sdelay $0x9  }
0x14e: {  	(v2sf) =	vpush @!p0 v3, $0xC;
	_ =	sdelay $0x4  }
0x14f: {  	s24 =	spop (v2sf)  }
0x150: {  	s23 =	sand.u32 $0x7F, s24  }
0x151: {  	s24 =	sadd.s32 $0xFFFFFFFD, s20;
	v54 =	vor.u32 s23, v0  }
0x152: {  	v55 =	vmov s24  }
0x153: {  	v56 =	vshll.u32 v55, $0x3  }
0x154: {  	[sflag:s12] =	ssyncset.done $0x0;
	v5 =	vand.u32 $0x7C, v55;
	v6 =	vand.u32 $0xC00, v56  }
0x155: {  	[sflag:s12] =	ssyncadd.s32 $0xFFFFF800;
	s24 =	simm.s32 $0xA400;
	v5 =	vor.u32 v6, v5  }
0x156: {  	v5 =	vor.u32 v1, v5;
	v4 =	vld.idx.msk [tilespmem:v54+s24+$0x0], $0xffff;
	_ =	sdelay $0x2  }
0x157: {  	s23 =	spop @!p0 (v2sf)  }
0x158: {  	s23 =	sand.u32 @!p0 $0xFFFFF80, s23  }
0x159: {  	s23 =	sadd.s32 @!p0 s1, s23;
	s24 =	simm.s32 @!p0 $0xA400;
	[tilespmem:v5+s31+$0x0] =	vst.idx.msk $0xffff, v4  }
0x15a: {  	[tilespmem:s24], [sflag:$0xD] =	stream.strided.gather @!p0 [hbm4b:s23+s21], $0x800, s22, s21, $0x38;
	[tilespmem:$0x10400] =	vst v63  }
0x15b: {  	_ =	swait.ge [sflag:s13], $0x800  }
0x15c: {  	(v2sf) =	vpush v2, $0xD;
	_ =	sdelay $0x9  }
0x15d: {  	(v2sf) =	vpush @!p0 v3, $0xD;
	_ =	sdelay $0x4  }
0x15e: {  	s24 =	spop (v2sf)  }
0x15f: {  	s23 =	sand.u32 $0x7F, s24  }
0x160: {  	s24 =	sadd.s32 $0xFFFFFFFE, s20;
	v57 =	vor.u32 s23, v0  }
0x161: {  	v58 =	vmov s24  }
0x162: {  	v59 =	vshll.u32 v58, $0x3  }
0x163: {  	[sflag:s13] =	ssyncset.done $0x0;
	v5 =	vand.u32 $0x7D, v58;
	v6 =	vand.u32 $0xC00, v59  }
0x164: {  	[sflag:s13] =	ssyncadd.s32 $0xFFFFF800;
	s24 =	simm.s32 $0xAC00;
	v5 =	vor.u32 v6, v5  }
0x165: {  	v5 =	vor.u32 v1, v5;
	v4 =	vld.idx.msk [tilespmem:v57+s24+$0x0], $0xffff;
	_ =	sdelay $0x2  }
0x166: {  	s23 =	spop @!p0 (v2sf)  }
0x167: {  	s23 =	sand.u32 @!p0 $0xFFFFF80, s23  }
0x168: {  	s23 =	sadd.s32 @!p0 s1, s23;
	s24 =	simm.s32 @!p0 $0xAC00;
	[tilespmem:v5+s31+$0x0] =	vst.idx.msk $0xffff, v4  }
0x169: {  	[tilespmem:s24], [sflag:$0xE] =	stream.strided.gather @!p0 [hbm4b:s23+s21], $0x800, s22, s21, $0x38;
	[tilespmem:$0x10400] =	vst v63  }
0x16a: {  	_ =	swait.ge [sflag:s14], $0x800  }
0x16b: {  	(v2sf) =	vpush v2, $0xE;
	_ =	sdelay $0x9  }
0x16c: {  	(v2sf) =	vpush @!p0 v3, $0xE;
	_ =	sdelay $0x4  }
0x16d: {  	s24 =	spop (v2sf)  }
0x16e: {  	s23 =	sand.u32 $0x7F, s24  }
0x16f: {  	s24 =	sadd.s32 $0xFFFFFFFF, s20;
	v60 =	vor.u32 s23, v0  }
0x170: {  	v61 =	vmov s24  }
0x171: {  	v62 =	vshll.u32 v61, $0x3  }
0x172: {  	[sflag:s14] =	ssyncset.done $0x0;
	v5 =	vand.u32 $0x7E, v61;
	v6 =	vand.u32 $0xC00, v62  }
0x173: {  	[sflag:s14] =	ssyncadd.s32 $0xFFFFF800;
	v5 =	vor.u32 v6, v5  }
0x174: {  	v5 =	vor.u32 v1, v5;
	v4 =	vld.idx.msk [tilespmem:v60+s26+$0x0], $0xffff;
	_ =	sdelay $0x2  }
0x175: {  	s23 =	spop @!p0 (v2sf)  }
0x176: {  	s23 =	sand.u32 @!p0 $0xFFFFF80, s23  }
0x177: {  	s24 =	simm.s32 @!p0 $0xB400;
	s23 =	sadd.s32 @!p0 s1, s23;
	[tilespmem:v5+s31+$0x0] =	vst.idx.msk $0xffff, v4  }
0x178: {  	[tilespmem:s24], [sflag:$0xF] =	stream.strided.gather @!p0 [hbm4b:s23+s21], $0x800, s22, s21, $0x38;
	[tilespmem:$0x10400] =	vst v63  }
0x179: {  	_ =	swait.ge [sflag:s15], $0x800  }
0x17a: {  	(v2sf) =	vpush v2, $0xF;
	_ =	sdelay $0x9  }
0x17b: {  	(v2sf) =	vpush @!p0 v3, $0xF;
	_ =	sdelay $0x4  }
0x17c: {  	s24 =	spop (v2sf)  }
0x17d: {  	s23 =	sand.u32 $0x7F, s24  }
0x17e: {  	v2 =	vor.u32 s23, v0  }
0x17f: {  	v3 =	vmov s20  }
0x180: {  	v63 =	vshll.u32 v3, $0x3  }
0x181: {  	[sflag:s15] =	ssyncset.done $0x0;
	v3 =	vand.u32 $0x7F, v3;
	v4 =	vand.u32 $0xC00, v63  }
0x182: {  	[sflag:s15] =	ssyncadd.s32 $0xFFFFF800;
	v3 =	vor.u32 v4, v3  }
0x183: {  	s20 =	sadd.s32 @!p0 $0x10, s20;
	v3 =	vor.u32 v1, v3;
	v2 =	vld.idx.msk [tilespmem:v2+s25+$0x0], $0xffff  }
0x184: {  	p1 =	sne.s32 @!p0 s20, $0x20F  }
0x185: {  	p1 =	por p0, !p1  }
.Ltmp0:
0x186: {  	s23 =	spop @!p0 (v2sf);
	(pc) =	sbr.rel @!p1 .LBB2_2-.Ltmp0, $4  }
0x187: {  	s18 =	sadd.s32 @!p0 $0x80, s18;
	s23 =	sand.u32 @!p0 $0xFFFFF80, s23  }
0x188: {  	s16 =	sadd.s32 @!p0 $0x10, s16;
	s24 =	simm.s32 @!p0 $0xBC00;
	s23 =	sadd.s32 @!p0 s1, s23;
	[tilespmem:v3+s31+$0x0] =	vst.idx.msk $0xffff, v2  }
0x189: {  	[tilespmem:s24], [sflag:$0x10] =	stream.strided.gather @!p0 [hbm4b:s23+s21], $0x800, s22, s21, $0x38;
	[tilespmem:$0x10400] =	vst v63  }
0x18a: {  	s19 =	sadd.s32 @!p0 $0x1, s19;
	s17 =	sadd.s32 @!p0 $0x10, s17;
	s24 =	simm.s32 $0x4400  }
0x18b: {  	s16 =	rddreg [dreg:$0x8]  }
0x18c: {  	s17 =	simm.s32 $0x1000;
	s18 =	simm.s32 $0x20000;
	s19 =	simm.s32 $0x12  }
0x18d: {  	[hbm4b:s16+s17] =	stream.strided.scatter [tilespmem:s31], [sflag:$0x12], $0x4000, s18, s17, $0x38;
	[tilespmem:$0x10400] =	vst v63  }
0x18e: {  	_ =	swait.ge [sflag:s19], $0x4000  }
0x18f: {  	s25 =	rddreg [dreg:$0xa]  }
0x190: {  	s26 =	rddreg [dreg:$0x9];
	s17 =	sadd.s32 $0x1, s25  }
0x191: {  	p0 =	sne.s32 s17, s26  }
.Ltmp1:
0x192: {  	_ = 	snop;
	(pc) =	sbr.rel @p0 .LBB2_1-.Ltmp1, $4  }
0x193: {  	_ = 	snop  }
0x194: {  	s20 =	simm.s32 $0x4C00;
	s21 =	simm.s32 $0x5400;
	s22 =	simm.s32 $0x5C00  }
0x195: {  	s23 =	simm.s32 $0x6400;
	s28 =	simm.s32 $0x7C00;
	[sflag:s19] =	ssyncset.done $0x0  }
0x196: {  	[sflag:s19] =	ssyncadd.s32 $0xFFFFC000;
	s25 =	simm.s32 $0x6C00;
	s26 =	simm.s32 $0x7400  }
0x197: {  	_ =	sfence.sel $0x180000  }
0x198: {  	[bflag:$0x0] =	sbarrier.arrive $0xFFFF  }
0x199: {  	_ =	strace $0x90000047  }
0x19a: {  	s0 =	stileid.u32;
	[bflag:$0x2] =	sbarrier.arrive $0xFFFF  }
0x19b: {  	p0 =	sne.s32 s0, $0x0;
	s0 =	rddreg [dreg:$0x5]  }
0x19c: {  	s0 =	sadd.s32 @!p0 $0x100000, s0  }
0x19d: {  	[sflag:s0] =	ssyncadd.tile.s32 @!p0 $0x1;
	_ =	shalt  }
.Lfunc_end2:
_tile_overlayer_lowered:
.L_overlay_start_2:
0x19e: {  	(tag) =	ssettag $0x2  }
0x19f: {  	s0 =	rddreg [dreg:$0x0];
	s2 =	stileid.u32  }
0x1a0: {  	s1 =	rddreg [dreg:$0x1];
	p0 =	sne.s32 s2, $0x0  }
0x1a1: {  	s3 =	rddreg [dreg:$0x2];
	[bflag:$0x3] =	sbarrier.arrive $0xFFFF;
	s2 =	simm.s32 @!p0 $0x1C12  }
0x1a2: {  	[timem:s3], [sflag:s2] =	dma.local @!p0 [hbm:s0], s1  }
0x1a3: {  	s0 =	simm.s32 @!p0 $0x12  }
0x1a4: {  	_ =	swait.ge @!p0 [sflag:s0], s1  }
0x1a5: {  	s1 =	ssub.s32 @!p0 $0x0, s1;
	[sflag:s0] =	ssyncset.done @!p0 $0x0  }
0x1a6: {  	[sflag:s0] =	ssyncadd.s32 @!p0 s1  }
0x1a7: {  	[bflag:$0x3] =	sbarrier.arrive $0xFFFF  }
0x1a8: {  	_ =	shalt  }

</sc_bundles>
